<compile_context>
chip_gen: v7x
topology: tpu7x:2x2x1
jax: 0.10.2.dev20260603
libtpu: 0.0.44.dev20260713+nightly
codegen_flags: <defaults>
</compile_context>

<pallas_src>
import functools

import jax
import jax.numpy as jnp
from jax import lax
from jax.experimental import pallas as pl
from jax.experimental.pallas import tpu as pltpu
from jax.experimental.pallas import tpu_sc as plsc

N = 100000
K = 16
F = 32
KP = 15
KPP = 16
EXT = 0.06
E = N * K

D = 40
NC = 2
NS = 16
NW = NC * NS
EH = E // 2
PER_W = EH // NW
CH = 1000
ROUNDS = PER_W // (2 * CH)


def _sc_gather(tbl, nbr, h):
    mesh = plsc.VectorSubcoreMesh(core_axis_name="c", subcore_axis_name="s")

    @functools.partial(
        pl.kernel,
        mesh=mesh,
        out_type=jax.ShapeDtypeStruct((EH, D), jnp.float32),
        scratch_types=[
            pltpu.VMEM((CH,), jnp.int32),
            pltpu.VMEM((CH,), jnp.int32),
            pltpu.VMEM((CH, D), jnp.float32),
            pltpu.VMEM((CH, D), jnp.float32),
            pltpu.SemaphoreType.DMA,
            pltpu.SemaphoreType.DMA,
            pltpu.SemaphoreType.DMA,
        ],
        compiler_params=pltpu.CompilerParams(use_tc_tiling_on_sc=False),
    )
    def k(tbl_hbm, nbr_hbm, out_hbm, idx0, idx1, buf0, buf1, semi, semg,
          semw):
        wid = lax.axis_index("s") * NC + lax.axis_index("c")

        def body(j, carry):
            base0 = wid * PER_W + (2 * j) * CH
            base1 = base0 + CH
            hi0 = pltpu.async_copy(
                nbr_hbm.at[pl.ds(h * EH + base0, CH)], idx0, semi)
            hi1 = pltpu.async_copy(
                nbr_hbm.at[pl.ds(h * EH + base1, CH)], idx1, semi)
            hi0.wait()
            hg0 = pltpu.async_copy(tbl_hbm.at[idx0], buf0, semg)
            hi1.wait()
            hg1 = pltpu.async_copy(tbl_hbm.at[idx1], buf1, semg)
            hg0.wait()
            hw0 = pltpu.async_copy(buf0, out_hbm.at[pl.ds(base0, CH)], semw)
            hg1.wait()
            hw1 = pltpu.async_copy(buf1, out_hbm.at[pl.ds(base1, CH)], semw)
            hw0.wait()
            hw1.wait()
            return carry

        lax.fori_loop(0, ROUNDS, body, 0)
        tbase = wid * PER_W + 2 * ROUNDS * CH
        pltpu.sync_copy(nbr_hbm.at[pl.ds(h * EH + tbase, CH)], idx0)
        pltpu.async_copy(tbl_hbm.at[idx0], buf0, semg).wait()
        pltpu.sync_copy(buf0, out_hbm.at[pl.ds(tbase, CH)])

    return k(tbl, nbr)


NH = N // 2


NB = 400
EB = NB * K
WTOT = KPP * F


def _tc_body(ge_ref, pos_ref, kp_ref, r_ref, wc_ref, h_ref, out_ref):
    xg = ge_ref[:, 0:F]
    posv = pos_ref[...]
    posr = jnp.broadcast_to(posv[:, None, :], (NB, K, 3)).reshape(EB, 3)
    acc = None
    for c in range(3):
        rc = ge_ref[:, F + c:F + c + 1] - posr[:, c:c + 1]
        dc = rc - kp_ref[c:c + 1, :]
        acc = dc * dc if acc is None else acc + dc * dc
    dist = jnp.sqrt(acc + 1e-12)
    infl = jnp.maximum(0.0, 1.0 - dist / EXT)
    zc = jnp.dot(xg, wc_ref[...], preferred_element_type=jnp.float32)
    ir = jnp.dot(infl, r_ref[...], preferred_element_type=jnp.float32)
    u = zc * ir
    kfz = u.reshape(NB, K, WTOT).sum(axis=1)
    out_ref[...] = jnp.dot(kfz, h_ref[...],
                           preferred_element_type=jnp.float32)


def _tc(ge, pos, kp_pad, rmat, wcat, hmat):
    return pl.pallas_call(
        _tc_body,
        grid=(NH // NB,),
        in_specs=[
            pl.BlockSpec((EB, D), lambda i: (i, 0)),
            pl.BlockSpec((NB, 3), lambda i: (i, 0)),
            pl.BlockSpec((8, KPP), lambda i: (0, 0)),
            pl.BlockSpec((KPP, WTOT), lambda i: (0, 0)),
            pl.BlockSpec((F, WTOT), lambda i: (0, 0)),
            pl.BlockSpec((WTOT, F), lambda i: (0, 0)),
        ],
        out_specs=pl.BlockSpec((NB, F), lambda i: (i, 0)),
        out_shape=jax.ShapeDtypeStruct((NH, F), jnp.float32),
    )(ge, pos, kp_pad, rmat, wcat, hmat)


def kernel(x, pos, neighbors, kernel_points, weights):
    nbr = neighbors.astype(jnp.int32).reshape(E)
    tbl = jnp.concatenate(
        [x, pos, jnp.zeros((N, D - F - 3), jnp.float32)], axis=1)
    g0 = _sc_gather(tbl, nbr, 0)
    g1 = _sc_gather(tbl, nbr, 1)

    kp_pad = jnp.zeros((8, KPP), jnp.float32).at[0:3, 0:KP].set(
        kernel_points.T)
    rmat = jnp.repeat(jnp.eye(KPP, dtype=jnp.float32), F, axis=1)
    wpad = jnp.concatenate(
        [weights, jnp.zeros((KPP - KP, F, F), jnp.float32)], axis=0)
    wcat = wpad.transpose(1, 0, 2).reshape(F, WTOT)
    hmat = jnp.tile(jnp.eye(F, dtype=jnp.float32), (KPP, 1))
    out0 = _tc(g0, pos[:NH], kp_pad, rmat, wcat, hmat)
    out1 = _tc(g1, pos[NH:], kp_pad, rmat, wcat, hmat)
    return jnp.concatenate([out0, out1], axis=0)

# --- scband reference (transcript-rebuilt; emitter-appended) ---
"""Pipeline reference for scband-kpconv-layer-26688926777503 (READ-ONLY COPY).

The authoritative reference and input builder live on the scoring server;
editing this copy changes nothing except your own understanding.
"""

import jax, jax.numpy as jnp
import numpy as np

N_POINTS = 100000
N_NEIGHBORS = 16
FEAT = 32
N_KERNEL_POINTS = 15
KP_EXTENT = 0.06


def setup_inputs(seed: int = 0) -> dict:
    key = jax.random.key(seed)
    k1, k2, k3, k4, k5 = jax.random.split(key, 5)
    x = jax.random.normal(k1, (N_POINTS, FEAT), dtype=jnp.float32)
    pos = jax.random.normal(k2, (N_POINTS, 3), dtype=jnp.float32)
    neighbors = jax.random.randint(k3, (N_POINTS, N_NEIGHBORS), 0, N_POINTS, dtype=jnp.int64)
    # learned params: kernel point positions (fixed dispositions in KPConv) and per-kernel-point weight matrices
    kernel_points = jax.random.normal(k4, (N_KERNEL_POINTS, 3), dtype=jnp.float32) * 0.04
    weights = jax.random.normal(k5, (N_KERNEL_POINTS, FEAT, FEAT), dtype=jnp.float32) * 0.05
    return {"x": x, "pos": pos, "neighbors": neighbors, "kernel_points": kernel_points, "weights": weights}


def reference(x, pos, neighbors, kernel_points, weights):
    # KPConv (Thomas et al. 2019) rigid kernel point convolution with linear influence.
    neigh_pos = pos[neighbors]                      # [N, K, 3]  (gather)
    rel = neigh_pos - pos[:, None, :]               # relative neighbor positions
    # distance from each relative neighbor position to each kernel point
    diff = rel[:, :, None, :] - kernel_points[None, None, :, :]   # [N, K, Kp, 3]
    dist = jnp.sqrt(jnp.sum(diff * diff, axis=-1) + 1e-12)        # [N, K, Kp]
    # linear correlation (influence) clipped at 0
    infl = jnp.maximum(0.0, 1.0 - dist / KP_EXTENT)               # [N, K, Kp]
    neigh_feats = x[neighbors]                                     # [N, K, F]  (gather)
    # aggregate neighbor features per kernel point
    kernel_feats = jnp.einsum('nkp,nkf->npf', infl, neigh_feats)   # [N, Kp, F]
    # apply per-kernel-point weight matrices and sum
    out = jnp.einsum('npf,pfg->ng', kernel_feats, weights)         # [N, F]
    return out

if __name__ == "__main__":
    import jax
    _d = setup_inputs()
    print(jax.jit(kernel)(*tuple(_d.values())))

</pallas_src>

<mosaic_0001>
#map = affine_map<(d0, d1) -> (0, 0)>
#map1 = affine_map<(d0, d1) -> (0)>
module attributes {stable_mosaic.version = 14 : i64} {
  func.func @k(%arg0: i32, %arg1: i32, %arg2: memref<100000x40xf32, #tpu.memory_space<hbm>>, %arg3: memref<1600000xi32, #tpu.memory_space<hbm>>, %arg4: memref<800000x40xf32, #tpu.memory_space<hbm>>, %arg5: memref<1000xi32, #tpu.memory_space<vmem>>, %arg6: memref<1000xi32, #tpu.memory_space<vmem>>, %arg7: memref<1000x40xf32, #tpu.memory_space<vmem>>, %arg8: memref<1000x40xf32, #tpu.memory_space<vmem>>, %arg9: memref<!tpu.dma_semaphore, #tpu.memory_space<semaphore_mem>>, %arg10: memref<!tpu.dma_semaphore, #tpu.memory_space<semaphore_mem>>, %arg11: memref<!tpu.dma_semaphore, #tpu.memory_space<semaphore_mem>>) attributes {dimension_semantics = [#tpu.dimension_semantics<core_parallel>, #tpu.dimension_semantics<subcore_parallel>], iteration_bounds = array<i64: 2, 16>, scalar_prefetch = 0 : i64, scratch_operands = 7 : i64, tpu.core_type = #tpu.core_type<sc_vector_subcore>, window_params = [{transform_indices = #map}, {transform_indices = #map1}, {transform_indices = #map}]} {
    %mul3A = arith.constant 2 : i32
    %mul3A_0 = arith.muli %arg1, %mul3A : i32
    %add3A = arith.addi %mul3A_0, %arg0 : i32
    %scan3A = arith.constant 0 : i32
    %scan3A_1 = arith.constant 0 : i32
    %scan3A_2 = arith.constant 12 : i32
    %scan3A_3 = arith.addi %scan3A_1, %scan3A_2 : i32
    %scan3A_4 = arith.constant 1 : i32
    scf.for %scan3A_16 = %scan3A_1 to %scan3A_3 step %scan3A_4  : i32 {
      %mul3A_17 = arith.constant 25000 : i32
      %mul3A_18 = arith.muli %add3A, %mul3A_17 : i32
      %mul3A_19 = arith.constant 2 : i32
      %mul3A_20 = arith.muli %mul3A_19, %scan3A_16 : i32
      %mul3A_21 = arith.constant 1000 : i32
      %mul3A_22 = arith.muli %mul3A_20, %mul3A_21 : i32
      %add3A_23 = arith.addi %mul3A_18, %mul3A_22 : i32
      %add3A_24 = arith.constant 1000 : i32
      %add3A_25 = arith.addi %add3A_23, %add3A_24 : i32
      %add3A_26 = arith.constant 800000 : i32
      %add3A_27 = arith.addi %add3A_26, %add3A_23 : i32
      %dma_start3A_28 = tpu.memref_slice %arg3[%add3A_27] : memref<1600000xi32, #tpu.memory_space<hbm>> -> memref<1000xi32, #tpu.memory_space<hbm>>
      %dma_start3A_29 = tpu.memref_slice %arg3[%add3A_27] : memref<1600000xi32, #tpu.memory_space<hbm>> -> memref<1000xi32, #tpu.memory_space<hbm>>
      tpu.enqueue_dma source(%dma_start3A_29 : memref<1000xi32, #tpu.memory_space<hbm>>) target(%arg5 : memref<1000xi32, #tpu.memory_space<vmem>>) target_semaphore(%arg9 : memref<!tpu.dma_semaphore, #tpu.memory_space<semaphore_mem>>)
      %add3A_30 = arith.constant 800000 : i32
      %add3A_31 = arith.addi %add3A_30, %add3A_25 : i32
      %dma_start3A_32 = tpu.memref_slice %arg3[%add3A_31] : memref<1600000xi32, #tpu.memory_space<hbm>> -> memref<1000xi32, #tpu.memory_space<hbm>>
      %dma_start3A_33 = tpu.memref_slice %arg3[%add3A_31] : memref<1600000xi32, #tpu.memory_space<hbm>> -> memref<1000xi32, #tpu.memory_space<hbm>>
      tpu.enqueue_dma source(%dma_start3A_33 : memref<1000xi32, #tpu.memory_space<hbm>>) target(%arg6 : memref<1000xi32, #tpu.memory_space<vmem>>) target_semaphore(%arg9 : memref<!tpu.dma_semaphore, #tpu.memory_space<semaphore_mem>>)
      %dma_wait3A_34 = tpu.memref_slice %arg3[%add3A_27] : memref<1600000xi32, #tpu.memory_space<hbm>> -> memref<1000xi32, #tpu.memory_space<hbm>>
      %dma_wait3A_35 = tpu.memref_slice %arg3[%add3A_27] : memref<1600000xi32, #tpu.memory_space<hbm>> -> memref<1000xi32, #tpu.memory_space<hbm>>
      tpu.wait_dma2 semaphore(%arg9 : memref<!tpu.dma_semaphore, #tpu.memory_space<semaphore_mem>>) src(%dma_wait3A_35 : memref<1000xi32, #tpu.memory_space<hbm>>) dst(%arg5 : memref<1000xi32, #tpu.memory_space<vmem>>)
      %dma_start3A_36 = arith.constant 0 : i32
      %dma_start3A_37 = arith.constant 0 : i32
      %dma_start3A_38 = tpu.memref_slice %arg2[%dma_start3A_36, %dma_start3A_37] : memref<100000x40xf32, #tpu.memory_space<hbm>> -> memref<100000x40xf32, #tpu.memory_space<hbm>>
      tpu.enqueue_indirect_dma source(%dma_start3A_38 : memref<100000x40xf32, #tpu.memory_space<hbm>>) target(%arg7 : memref<1000x40xf32, #tpu.memory_space<vmem>>) offsets(%arg5 : memref<1000xi32, #tpu.memory_space<vmem>>) semaphore(%arg10 : memref<!tpu.dma_semaphore, #tpu.memory_space<semaphore_mem>>)
      %dma_wait3A_39 = tpu.memref_slice %arg3[%add3A_31] : memref<1600000xi32, #tpu.memory_space<hbm>> -> memref<1000xi32, #tpu.memory_space<hbm>>
      %dma_wait3A_40 = tpu.memref_slice %arg3[%add3A_31] : memref<1600000xi32, #tpu.memory_space<hbm>> -> memref<1000xi32, #tpu.memory_space<hbm>>
      tpu.wait_dma2 semaphore(%arg9 : memref<!tpu.dma_semaphore, #tpu.memory_space<semaphore_mem>>) src(%dma_wait3A_40 : memref<1000xi32, #tpu.memory_space<hbm>>) dst(%arg6 : memref<1000xi32, #tpu.memory_space<vmem>>)
      %dma_start3A_41 = arith.constant 0 : i32
      %dma_start3A_42 = arith.constant 0 : i32
      %dma_start3A_43 = tpu.memref_slice %arg2[%dma_start3A_41, %dma_start3A_42] : memref<100000x40xf32, #tpu.memory_space<hbm>> -> memref<100000x40xf32, #tpu.memory_space<hbm>>
      tpu.enqueue_indirect_dma source(%dma_start3A_43 : memref<100000x40xf32, #tpu.memory_space<hbm>>) target(%arg8 : memref<1000x40xf32, #tpu.memory_space<vmem>>) offsets(%arg6 : memref<1000xi32, #tpu.memory_space<vmem>>) semaphore(%arg10 : memref<!tpu.dma_semaphore, #tpu.memory_space<semaphore_mem>>)
      %dma_wait3A_44 = arith.constant 0 : i32
      %dma_wait3A_45 = arith.constant 0 : i32
      %dma_wait3A_46 = tpu.memref_slice %arg2[%dma_wait3A_44, %dma_wait3A_45] : memref<100000x40xf32, #tpu.memory_space<hbm>> -> memref<100000x40xf32, #tpu.memory_space<hbm>>
      tpu.wait_indirect_dma semaphore(%arg10 : memref<!tpu.dma_semaphore, #tpu.memory_space<semaphore_mem>>) src(%dma_wait3A_46 : memref<100000x40xf32, #tpu.memory_space<hbm>>) dst(%arg7 : memref<1000x40xf32, #tpu.memory_space<vmem>>)
      %dma_start3A_47 = arith.constant 0 : i32
      %dma_start3A_48 = tpu.memref_slice %arg4[%add3A_23, %dma_start3A_47] : memref<800000x40xf32, #tpu.memory_space<hbm>> -> memref<1000x40xf32, #tpu.memory_space<hbm>>
      %dma_start3A_49 = arith.constant 0 : i32
      %dma_start3A_50 = tpu.memref_slice %arg4[%add3A_23, %dma_start3A_49] : memref<800000x40xf32, #tpu.memory_space<hbm>> -> memref<1000x40xf32, #tpu.memory_space<hbm>>
      tpu.enqueue_dma source(%arg7 : memref<1000x40xf32, #tpu.memory_space<vmem>>) target(%dma_start3A_50 : memref<1000x40xf32, #tpu.memory_space<hbm>>) target_semaphore(%arg11 : memref<!tpu.dma_semaphore, #tpu.memory_space<semaphore_mem>>)
      %dma_wait3A_51 = arith.constant 0 : i32
      %dma_wait3A_52 = arith.constant 0 : i32
      %dma_wait3A_53 = tpu.memref_slice %arg2[%dma_wait3A_51, %dma_wait3A_52] : memref<100000x40xf32, #tpu.memory_space<hbm>> -> memref<100000x40xf32, #tpu.memory_space<hbm>>
      tpu.wait_indirect_dma semaphore(%arg10 : memref<!tpu.dma_semaphore, #tpu.memory_space<semaphore_mem>>) src(%dma_wait3A_53 : memref<100000x40xf32, #tpu.memory_space<hbm>>) dst(%arg8 : memref<1000x40xf32, #tpu.memory_space<vmem>>)
      %dma_start3A_54 = arith.constant 0 : i32
      %dma_start3A_55 = tpu.memref_slice %arg4[%add3A_25, %dma_start3A_54] : memref<800000x40xf32, #tpu.memory_space<hbm>> -> memref<1000x40xf32, #tpu.memory_space<hbm>>
      %dma_start3A_56 = arith.constant 0 : i32
      %dma_start3A_57 = tpu.memref_slice %arg4[%add3A_25, %dma_start3A_56] : memref<800000x40xf32, #tpu.memory_space<hbm>> -> memref<1000x40xf32, #tpu.memory_space<hbm>>
      tpu.enqueue_dma source(%arg8 : memref<1000x40xf32, #tpu.memory_space<vmem>>) target(%dma_start3A_57 : memref<1000x40xf32, #tpu.memory_space<hbm>>) target_semaphore(%arg11 : memref<!tpu.dma_semaphore, #tpu.memory_space<semaphore_mem>>)
      %dma_wait3A_58 = arith.constant 0 : i32
      %dma_wait3A_59 = tpu.memref_slice %arg4[%add3A_23, %dma_wait3A_58] : memref<800000x40xf32, #tpu.memory_space<hbm>> -> memref<1000x40xf32, #tpu.memory_space<hbm>>
      %dma_wait3A_60 = arith.constant 0 : i32
      %dma_wait3A_61 = tpu.memref_slice %arg4[%add3A_23, %dma_wait3A_60] : memref<800000x40xf32, #tpu.memory_space<hbm>> -> memref<1000x40xf32, #tpu.memory_space<hbm>>
      tpu.wait_dma2 semaphore(%arg11 : memref<!tpu.dma_semaphore, #tpu.memory_space<semaphore_mem>>) src(%arg7 : memref<1000x40xf32, #tpu.memory_space<vmem>>) dst(%dma_wait3A_61 : memref<1000x40xf32, #tpu.memory_space<hbm>>)
      %dma_wait3A_62 = arith.constant 0 : i32
      %dma_wait3A_63 = tpu.memref_slice %arg4[%add3A_25, %dma_wait3A_62] : memref<800000x40xf32, #tpu.memory_space<hbm>> -> memref<1000x40xf32, #tpu.memory_space<hbm>>
      %dma_wait3A_64 = arith.constant 0 : i32
      %dma_wait3A_65 = tpu.memref_slice %arg4[%add3A_25, %dma_wait3A_64] : memref<800000x40xf32, #tpu.memory_space<hbm>> -> memref<1000x40xf32, #tpu.memory_space<hbm>>
      tpu.wait_dma2 semaphore(%arg11 : memref<!tpu.dma_semaphore, #tpu.memory_space<semaphore_mem>>) src(%arg8 : memref<1000x40xf32, #tpu.memory_space<vmem>>) dst(%dma_wait3A_65 : memref<1000x40xf32, #tpu.memory_space<hbm>>)
    }
    %scan3A_5 = arith.constant 12 : i32
    %mul3A_6 = arith.constant 25000 : i32
    %mul3A_7 = arith.muli %add3A, %mul3A_6 : i32
    %add3A_8 = arith.constant 24000 : i32
    %add3A_9 = arith.addi %mul3A_7, %add3A_8 : i32
    %add3A_10 = arith.constant 800000 : i32
    %add3A_11 = arith.addi %add3A_10, %add3A_9 : i32
    "tpu.region"() ({
      %run_scoped3A = tpu.sem_alloc : memref<!tpu.dma_semaphore, #tpu.memory_space<semaphore_mem>>
      %dma_start3A_16 = tpu.memref_slice %arg3[%add3A_11] : memref<1600000xi32, #tpu.memory_space<hbm>> -> memref<1000xi32, #tpu.memory_space<hbm>>
      %dma_start3A_17 = tpu.memref_slice %arg3[%add3A_11] : memref<1600000xi32, #tpu.memory_space<hbm>> -> memref<1000xi32, #tpu.memory_space<hbm>>
      tpu.enqueue_dma source(%dma_start3A_17 : memref<1000xi32, #tpu.memory_space<hbm>>) target(%arg5 : memref<1000xi32, #tpu.memory_space<vmem>>) target_semaphore(%run_scoped3A : memref<!tpu.dma_semaphore, #tpu.memory_space<semaphore_mem>>)
      %dma_wait3A_18 = tpu.memref_slice %arg3[%add3A_11] : memref<1600000xi32, #tpu.memory_space<hbm>> -> memref<1000xi32, #tpu.memory_space<hbm>>
      %dma_wait3A_19 = tpu.memref_slice %arg3[%add3A_11] : memref<1600000xi32, #tpu.memory_space<hbm>> -> memref<1000xi32, #tpu.memory_space<hbm>>
      tpu.wait_dma2 semaphore(%run_scoped3A : memref<!tpu.dma_semaphore, #tpu.memory_space<semaphore_mem>>) src(%dma_wait3A_19 : memref<1000xi32, #tpu.memory_space<hbm>>) dst(%arg5 : memref<1000xi32, #tpu.memory_space<vmem>>)
      tpu.yield
    }) : () -> ()
    %dma_start3A = arith.constant 0 : i32
    %dma_start3A_12 = arith.constant 0 : i32
    %dma_start3A_13 = tpu.memref_slice %arg2[%dma_start3A, %dma_start3A_12] : memref<100000x40xf32, #tpu.memory_space<hbm>> -> memref<100000x40xf32, #tpu.memory_space<hbm>>
    tpu.enqueue_indirect_dma source(%dma_start3A_13 : memref<100000x40xf32, #tpu.memory_space<hbm>>) target(%arg7 : memref<1000x40xf32, #tpu.memory_space<vmem>>) offsets(%arg5 : memref<1000xi32, #tpu.memory_space<vmem>>) semaphore(%arg10 : memref<!tpu.dma_semaphore, #tpu.memory_space<semaphore_mem>>)
    %dma_wait3A = arith.constant 0 : i32
    %dma_wait3A_14 = arith.constant 0 : i32
    %dma_wait3A_15 = tpu.memref_slice %arg2[%dma_wait3A, %dma_wait3A_14] : memref<100000x40xf32, #tpu.memory_space<hbm>> -> memref<100000x40xf32, #tpu.memory_space<hbm>>
    tpu.wait_indirect_dma semaphore(%arg10 : memref<!tpu.dma_semaphore, #tpu.memory_space<semaphore_mem>>) src(%dma_wait3A_15 : memref<100000x40xf32, #tpu.memory_space<hbm>>) dst(%arg7 : memref<1000x40xf32, #tpu.memory_space<vmem>>)
    "tpu.region"() ({
      %run_scoped3A = tpu.sem_alloc : memref<!tpu.dma_semaphore, #tpu.memory_space<semaphore_mem>>
      %dma_start3A_16 = arith.constant 0 : i32
      %dma_start3A_17 = tpu.memref_slice %arg4[%add3A_9, %dma_start3A_16] : memref<800000x40xf32, #tpu.memory_space<hbm>> -> memref<1000x40xf32, #tpu.memory_space<hbm>>
      %dma_start3A_18 = arith.constant 0 : i32
      %dma_start3A_19 = tpu.memref_slice %arg4[%add3A_9, %dma_start3A_18] : memref<800000x40xf32, #tpu.memory_space<hbm>> -> memref<1000x40xf32, #tpu.memory_space<hbm>>
      tpu.enqueue_dma source(%arg7 : memref<1000x40xf32, #tpu.memory_space<vmem>>) target(%dma_start3A_19 : memref<1000x40xf32, #tpu.memory_space<hbm>>) target_semaphore(%run_scoped3A : memref<!tpu.dma_semaphore, #tpu.memory_space<semaphore_mem>>)
      %dma_wait3A_20 = arith.constant 0 : i32
      %dma_wait3A_21 = tpu.memref_slice %arg4[%add3A_9, %dma_wait3A_20] : memref<800000x40xf32, #tpu.memory_space<hbm>> -> memref<1000x40xf32, #tpu.memory_space<hbm>>
      %dma_wait3A_22 = arith.constant 0 : i32
      %dma_wait3A_23 = tpu.memref_slice %arg4[%add3A_9, %dma_wait3A_22] : memref<800000x40xf32, #tpu.memory_space<hbm>> -> memref<1000x40xf32, #tpu.memory_space<hbm>>
      tpu.wait_dma2 semaphore(%run_scoped3A : memref<!tpu.dma_semaphore, #tpu.memory_space<semaphore_mem>>) src(%arg7 : memref<1000x40xf32, #tpu.memory_space<vmem>>) dst(%dma_wait3A_23 : memref<1000x40xf32, #tpu.memory_space<hbm>>)
      tpu.yield
    }) : () -> ()
    return
  }
}

#map = affine_map<(d0, d1) -> (0, 0)>
#map1 = affine_map<(d0, d1) -> (0)>
module attributes {stable_mosaic.version = 14 : i64} {
  func.func @k(%arg0: i32, %arg1: i32, %arg2: memref<100000x40xf32, #tpu.memory_space<hbm>>, %arg3: memref<1600000xi32, #tpu.memory_space<hbm>>, %arg4: memref<800000x40xf32, #tpu.memory_space<hbm>>, %arg5: memref<1000xi32, #tpu.memory_space<vmem>>, %arg6: memref<1000xi32, #tpu.memory_space<vmem>>, %arg7: memref<1000x40xf32, #tpu.memory_space<vmem>>, %arg8: memref<1000x40xf32, #tpu.memory_space<vmem>>, %arg9: memref<!tpu.dma_semaphore, #tpu.memory_space<semaphore_mem>>, %arg10: memref<!tpu.dma_semaphore, #tpu.memory_space<semaphore_mem>>, %arg11: memref<!tpu.dma_semaphore, #tpu.memory_space<semaphore_mem>>) attributes {dimension_semantics = [#tpu.dimension_semantics<core_parallel>, #tpu.dimension_semantics<subcore_parallel>], iteration_bounds = array<i64: 2, 16>, scalar_prefetch = 0 : i64, scratch_operands = 7 : i64, tpu.core_type = #tpu.core_type<sc_vector_subcore>, window_params = [{transform_indices = #map}, {transform_indices = #map1}, {transform_indices = #map}]} {
    %mul3A = arith.constant 2 : i32
    %mul3A_0 = arith.muli %arg1, %mul3A : i32
    %add3A = arith.addi %mul3A_0, %arg0 : i32
    %scan3A = arith.constant 0 : i32
    %scan3A_1 = arith.constant 0 : i32
    %scan3A_2 = arith.constant 12 : i32
    %scan3A_3 = arith.addi %scan3A_1, %scan3A_2 : i32
    %scan3A_4 = arith.constant 1 : i32
    scf.for %scan3A_16 = %scan3A_1 to %scan3A_3 step %scan3A_4  : i32 {
      %mul3A_17 = arith.constant 25000 : i32
      %mul3A_18 = arith.muli %add3A, %mul3A_17 : i32
      %mul3A_19 = arith.constant 2 : i32
      %mul3A_20 = arith.muli %mul3A_19, %scan3A_16 : i32
      %mul3A_21 = arith.constant 1000 : i32
      %mul3A_22 = arith.muli %mul3A_20, %mul3A_21 : i32
      %add3A_23 = arith.addi %mul3A_18, %mul3A_22 : i32
      %add3A_24 = arith.constant 1000 : i32
      %add3A_25 = arith.addi %add3A_23, %add3A_24 : i32
      %add3A_26 = arith.constant 0 : i32
      %add3A_27 = arith.addi %add3A_26, %add3A_23 : i32
      %dma_start3A_28 = tpu.memref_slice %arg3[%add3A_27] : memref<1600000xi32, #tpu.memory_space<hbm>> -> memref<1000xi32, #tpu.memory_space<hbm>>
      %dma_start3A_29 = tpu.memref_slice %arg3[%add3A_27] : memref<1600000xi32, #tpu.memory_space<hbm>> -> memref<1000xi32, #tpu.memory_space<hbm>>
      tpu.enqueue_dma source(%dma_start3A_29 : memref<1000xi32, #tpu.memory_space<hbm>>) target(%arg5 : memref<1000xi32, #tpu.memory_space<vmem>>) target_semaphore(%arg9 : memref<!tpu.dma_semaphore, #tpu.memory_space<semaphore_mem>>)
      %add3A_30 = arith.constant 0 : i32
      %add3A_31 = arith.addi %add3A_30, %add3A_25 : i32
      %dma_start3A_32 = tpu.memref_slice %arg3[%add3A_31] : memref<1600000xi32, #tpu.memory_space<hbm>> -> memref<1000xi32, #tpu.memory_space<hbm>>
      %dma_start3A_33 = tpu.memref_slice %arg3[%add3A_31] : memref<1600000xi32, #tpu.memory_space<hbm>> -> memref<1000xi32, #tpu.memory_space<hbm>>
      tpu.enqueue_dma source(%dma_start3A_33 : memref<1000xi32, #tpu.memory_space<hbm>>) target(%arg6 : memref<1000xi32, #tpu.memory_space<vmem>>) target_semaphore(%arg9 : memref<!tpu.dma_semaphore, #tpu.memory_space<semaphore_mem>>)
      %dma_wait3A_34 = tpu.memref_slice %arg3[%add3A_27] : memref<1600000xi32, #tpu.memory_space<hbm>> -> memref<1000xi32, #tpu.memory_space<hbm>>
      %dma_wait3A_35 = tpu.memref_slice %arg3[%add3A_27] : memref<1600000xi32, #tpu.memory_space<hbm>> -> memref<1000xi32, #tpu.memory_space<hbm>>
      tpu.wait_dma2 semaphore(%arg9 : memref<!tpu.dma_semaphore, #tpu.memory_space<semaphore_mem>>) src(%dma_wait3A_35 : memref<1000xi32, #tpu.memory_space<hbm>>) dst(%arg5 : memref<1000xi32, #tpu.memory_space<vmem>>)
      %dma_start3A_36 = arith.constant 0 : i32
      %dma_start3A_37 = arith.constant 0 : i32
      %dma_start3A_38 = tpu.memref_slice %arg2[%dma_start3A_36, %dma_start3A_37] : memref<100000x40xf32, #tpu.memory_space<hbm>> -> memref<100000x40xf32, #tpu.memory_space<hbm>>
      tpu.enqueue_indirect_dma source(%dma_start3A_38 : memref<100000x40xf32, #tpu.memory_space<hbm>>) target(%arg7 : memref<1000x40xf32, #tpu.memory_space<vmem>>) offsets(%arg5 : memref<1000xi32, #tpu.memory_space<vmem>>) semaphore(%arg10 : memref<!tpu.dma_semaphore, #tpu.memory_space<semaphore_mem>>)
      %dma_wait3A_39 = tpu.memref_slice %arg3[%add3A_31] : memref<1600000xi32, #tpu.memory_space<hbm>> -> memref<1000xi32, #tpu.memory_space<hbm>>
      %dma_wait3A_40 = tpu.memref_slice %arg3[%add3A_31] : memref<1600000xi32, #tpu.memory_space<hbm>> -> memref<1000xi32, #tpu.memory_space<hbm>>
      tpu.wait_dma2 semaphore(%arg9 : memref<!tpu.dma_semaphore, #tpu.memory_space<semaphore_mem>>) src(%dma_wait3A_40 : memref<1000xi32, #tpu.memory_space<hbm>>) dst(%arg6 : memref<1000xi32, #tpu.memory_space<vmem>>)
      %dma_start3A_41 = arith.constant 0 : i32
      %dma_start3A_42 = arith.constant 0 : i32
      %dma_start3A_43 = tpu.memref_slice %arg2[%dma_start3A_41, %dma_start3A_42] : memref<100000x40xf32, #tpu.memory_space<hbm>> -> memref<100000x40xf32, #tpu.memory_space<hbm>>
      tpu.enqueue_indirect_dma source(%dma_start3A_43 : memref<100000x40xf32, #tpu.memory_space<hbm>>) target(%arg8 : memref<1000x40xf32, #tpu.memory_space<vmem>>) offsets(%arg6 : memref<1000xi32, #tpu.memory_space<vmem>>) semaphore(%arg10 : memref<!tpu.dma_semaphore, #tpu.memory_space<semaphore_mem>>)
      %dma_wait3A_44 = arith.constant 0 : i32
      %dma_wait3A_45 = arith.constant 0 : i32
      %dma_wait3A_46 = tpu.memref_slice %arg2[%dma_wait3A_44, %dma_wait3A_45] : memref<100000x40xf32, #tpu.memory_space<hbm>> -> memref<100000x40xf32, #tpu.memory_space<hbm>>
      tpu.wait_indirect_dma semaphore(%arg10 : memref<!tpu.dma_semaphore, #tpu.memory_space<semaphore_mem>>) src(%dma_wait3A_46 : memref<100000x40xf32, #tpu.memory_space<hbm>>) dst(%arg7 : memref<1000x40xf32, #tpu.memory_space<vmem>>)
      %dma_start3A_47 = arith.constant 0 : i32
      %dma_start3A_48 = tpu.memref_slice %arg4[%add3A_23, %dma_start3A_47] : memref<800000x40xf32, #tpu.memory_space<hbm>> -> memref<1000x40xf32, #tpu.memory_space<hbm>>
      %dma_start3A_49 = arith.constant 0 : i32
      %dma_start3A_50 = tpu.memref_slice %arg4[%add3A_23, %dma_start3A_49] : memref<800000x40xf32, #tpu.memory_space<hbm>> -> memref<1000x40xf32, #tpu.memory_space<hbm>>
      tpu.enqueue_dma source(%arg7 : memref<1000x40xf32, #tpu.memory_space<vmem>>) target(%dma_start3A_50 : memref<1000x40xf32, #tpu.memory_space<hbm>>) target_semaphore(%arg11 : memref<!tpu.dma_semaphore, #tpu.memory_space<semaphore_mem>>)
      %dma_wait3A_51 = arith.constant 0 : i32
      %dma_wait3A_52 = arith.constant 0 : i32
      %dma_wait3A_53 = tpu.memref_slice %arg2[%dma_wait3A_51, %dma_wait3A_52] : memref<100000x40xf32, #tpu.memory_space<hbm>> -> memref<100000x40xf32, #tpu.memory_space<hbm>>
      tpu.wait_indirect_dma semaphore(%arg10 : memref<!tpu.dma_semaphore, #tpu.memory_space<semaphore_mem>>) src(%dma_wait3A_53 : memref<100000x40xf32, #tpu.memory_space<hbm>>) dst(%arg8 : memref<1000x40xf32, #tpu.memory_space<vmem>>)
      %dma_start3A_54 = arith.constant 0 : i32
      %dma_start3A_55 = tpu.memref_slice %arg4[%add3A_25, %dma_start3A_54] : memref<800000x40xf32, #tpu.memory_space<hbm>> -> memref<1000x40xf32, #tpu.memory_space<hbm>>
      %dma_start3A_56 = arith.constant 0 : i32
      %dma_start3A_57 = tpu.memref_slice %arg4[%add3A_25, %dma_start3A_56] : memref<800000x40xf32, #tpu.memory_space<hbm>> -> memref<1000x40xf32, #tpu.memory_space<hbm>>
      tpu.enqueue_dma source(%arg8 : memref<1000x40xf32, #tpu.memory_space<vmem>>) target(%dma_start3A_57 : memref<1000x40xf32, #tpu.memory_space<hbm>>) target_semaphore(%arg11 : memref<!tpu.dma_semaphore, #tpu.memory_space<semaphore_mem>>)
      %dma_wait3A_58 = arith.constant 0 : i32
      %dma_wait3A_59 = tpu.memref_slice %arg4[%add3A_23, %dma_wait3A_58] : memref<800000x40xf32, #tpu.memory_space<hbm>> -> memref<1000x40xf32, #tpu.memory_space<hbm>>
      %dma_wait3A_60 = arith.constant 0 : i32
      %dma_wait3A_61 = tpu.memref_slice %arg4[%add3A_23, %dma_wait3A_60] : memref<800000x40xf32, #tpu.memory_space<hbm>> -> memref<1000x40xf32, #tpu.memory_space<hbm>>
      tpu.wait_dma2 semaphore(%arg11 : memref<!tpu.dma_semaphore, #tpu.memory_space<semaphore_mem>>) src(%arg7 : memref<1000x40xf32, #tpu.memory_space<vmem>>) dst(%dma_wait3A_61 : memref<1000x40xf32, #tpu.memory_space<hbm>>)
      %dma_wait3A_62 = arith.constant 0 : i32
      %dma_wait3A_63 = tpu.memref_slice %arg4[%add3A_25, %dma_wait3A_62] : memref<800000x40xf32, #tpu.memory_space<hbm>> -> memref<1000x40xf32, #tpu.memory_space<hbm>>
      %dma_wait3A_64 = arith.constant 0 : i32
      %dma_wait3A_65 = tpu.memref_slice %arg4[%add3A_25, %dma_wait3A_64] : memref<800000x40xf32, #tpu.memory_space<hbm>> -> memref<1000x40xf32, #tpu.memory_space<hbm>>
      tpu.wait_dma2 semaphore(%arg11 : memref<!tpu.dma_semaphore, #tpu.memory_space<semaphore_mem>>) src(%arg8 : memref<1000x40xf32, #tpu.memory_space<vmem>>) dst(%dma_wait3A_65 : memref<1000x40xf32, #tpu.memory_space<hbm>>)
    }
    %scan3A_5 = arith.constant 12 : i32
    %mul3A_6 = arith.constant 25000 : i32
    %mul3A_7 = arith.muli %add3A, %mul3A_6 : i32
    %add3A_8 = arith.constant 24000 : i32
    %add3A_9 = arith.addi %mul3A_7, %add3A_8 : i32
    %add3A_10 = arith.constant 0 : i32
    %add3A_11 = arith.addi %add3A_10, %add3A_9 : i32
    "tpu.region"() ({
      %run_scoped3A = tpu.sem_alloc : memref<!tpu.dma_semaphore, #tpu.memory_space<semaphore_mem>>
      %dma_start3A_16 = tpu.memref_slice %arg3[%add3A_11] : memref<1600000xi32, #tpu.memory_space<hbm>> -> memref<1000xi32, #tpu.memory_space<hbm>>
      %dma_start3A_17 = tpu.memref_slice %arg3[%add3A_11] : memref<1600000xi32, #tpu.memory_space<hbm>> -> memref<1000xi32, #tpu.memory_space<hbm>>
      tpu.enqueue_dma source(%dma_start3A_17 : memref<1000xi32, #tpu.memory_space<hbm>>) target(%arg5 : memref<1000xi32, #tpu.memory_space<vmem>>) target_semaphore(%run_scoped3A : memref<!tpu.dma_semaphore, #tpu.memory_space<semaphore_mem>>)
      %dma_wait3A_18 = tpu.memref_slice %arg3[%add3A_11] : memref<1600000xi32, #tpu.memory_space<hbm>> -> memref<1000xi32, #tpu.memory_space<hbm>>
      %dma_wait3A_19 = tpu.memref_slice %arg3[%add3A_11] : memref<1600000xi32, #tpu.memory_space<hbm>> -> memref<1000xi32, #tpu.memory_space<hbm>>
      tpu.wait_dma2 semaphore(%run_scoped3A : memref<!tpu.dma_semaphore, #tpu.memory_space<semaphore_mem>>) src(%dma_wait3A_19 : memref<1000xi32, #tpu.memory_space<hbm>>) dst(%arg5 : memref<1000xi32, #tpu.memory_space<vmem>>)
      tpu.yield
    }) : () -> ()
    %dma_start3A = arith.constant 0 : i32
    %dma_start3A_12 = arith.constant 0 : i32
    %dma_start3A_13 = tpu.memref_slice %arg2[%dma_start3A, %dma_start3A_12] : memref<100000x40xf32, #tpu.memory_space<hbm>> -> memref<100000x40xf32, #tpu.memory_space<hbm>>
    tpu.enqueue_indirect_dma source(%dma_start3A_13 : memref<100000x40xf32, #tpu.memory_space<hbm>>) target(%arg7 : memref<1000x40xf32, #tpu.memory_space<vmem>>) offsets(%arg5 : memref<1000xi32, #tpu.memory_space<vmem>>) semaphore(%arg10 : memref<!tpu.dma_semaphore, #tpu.memory_space<semaphore_mem>>)
    %dma_wait3A = arith.constant 0 : i32
    %dma_wait3A_14 = arith.constant 0 : i32
    %dma_wait3A_15 = tpu.memref_slice %arg2[%dma_wait3A, %dma_wait3A_14] : memref<100000x40xf32, #tpu.memory_space<hbm>> -> memref<100000x40xf32, #tpu.memory_space<hbm>>
    tpu.wait_indirect_dma semaphore(%arg10 : memref<!tpu.dma_semaphore, #tpu.memory_space<semaphore_mem>>) src(%dma_wait3A_15 : memref<100000x40xf32, #tpu.memory_space<hbm>>) dst(%arg7 : memref<1000x40xf32, #tpu.memory_space<vmem>>)
    "tpu.region"() ({
      %run_scoped3A = tpu.sem_alloc : memref<!tpu.dma_semaphore, #tpu.memory_space<semaphore_mem>>
      %dma_start3A_16 = arith.constant 0 : i32
      %dma_start3A_17 = tpu.memref_slice %arg4[%add3A_9, %dma_start3A_16] : memref<800000x40xf32, #tpu.memory_space<hbm>> -> memref<1000x40xf32, #tpu.memory_space<hbm>>
      %dma_start3A_18 = arith.constant 0 : i32
      %dma_start3A_19 = tpu.memref_slice %arg4[%add3A_9, %dma_start3A_18] : memref<800000x40xf32, #tpu.memory_space<hbm>> -> memref<1000x40xf32, #tpu.memory_space<hbm>>
      tpu.enqueue_dma source(%arg7 : memref<1000x40xf32, #tpu.memory_space<vmem>>) target(%dma_start3A_19 : memref<1000x40xf32, #tpu.memory_space<hbm>>) target_semaphore(%run_scoped3A : memref<!tpu.dma_semaphore, #tpu.memory_space<semaphore_mem>>)
      %dma_wait3A_20 = arith.constant 0 : i32
      %dma_wait3A_21 = tpu.memref_slice %arg4[%add3A_9, %dma_wait3A_20] : memref<800000x40xf32, #tpu.memory_space<hbm>> -> memref<1000x40xf32, #tpu.memory_space<hbm>>
      %dma_wait3A_22 = arith.constant 0 : i32
      %dma_wait3A_23 = tpu.memref_slice %arg4[%add3A_9, %dma_wait3A_22] : memref<800000x40xf32, #tpu.memory_space<hbm>> -> memref<1000x40xf32, #tpu.memory_space<hbm>>
      tpu.wait_dma2 semaphore(%run_scoped3A : memref<!tpu.dma_semaphore, #tpu.memory_space<semaphore_mem>>) src(%arg7 : memref<1000x40xf32, #tpu.memory_space<vmem>>) dst(%dma_wait3A_23 : memref<1000x40xf32, #tpu.memory_space<hbm>>)
      tpu.yield
    }) : () -> ()
    return
  }
}

module attributes {stable_mosaic.version = 14 : i64} {
  func.func @_tc_body(%arg0: i32, %arg1: memref<6400x40xf32, #tpu.memory_space<vmem>>, %arg2: memref<400x3xf32, #tpu.memory_space<vmem>>, %arg3: memref<8x16xf32, #tpu.memory_space<vmem>>, %arg4: memref<16x512xf32, #tpu.memory_space<vmem>>, %arg5: memref<32x512xf32, #tpu.memory_space<vmem>>, %arg6: memref<512x32xf32, #tpu.memory_space<vmem>>, %arg7: memref<400x32xf32, #tpu.memory_space<vmem>>) attributes {dimension_semantics = [#tpu.dimension_semantics<arbitrary>], iteration_bounds = array<i64: 125>, scalar_prefetch = 0 : i64, scratch_operands = 0 : i64, tpu.core_type = #tpu.core_type<tc>, window_params = [{transform_indices = @transform_0, window_bounds = array<i64: 6400, 40>}, {transform_indices = @transform_1, window_bounds = array<i64: 400, 3>}, {pipeline_mode = #tpu.pipeline_mode<synchronous>, transform_indices = @transform_2, window_bounds = array<i64: 8, 16>}, {pipeline_mode = #tpu.pipeline_mode<synchronous>, transform_indices = @transform_3, window_bounds = array<i64: 16, 512>}, {pipeline_mode = #tpu.pipeline_mode<synchronous>, transform_indices = @transform_4, window_bounds = array<i64: 32, 512>}, {pipeline_mode = #tpu.pipeline_mode<synchronous>, transform_indices = @transform_5, window_bounds = array<i64: 512, 32>}, {transform_indices = @transform_6, window_bounds = array<i64: 400, 32>}]} {
    %get3A = arith.constant 0 : index
    %get3A_0 = arith.constant 0 : index
    %get3A_1 = vector.load %arg1[%get3A, %get3A_0] : memref<6400x40xf32, #tpu.memory_space<vmem>>, vector<6400x32xf32>
    %get3A_2 = arith.constant 0 : index
    %get3A_3 = arith.constant 0 : index
    %get3A_4 = vector.load %arg2[%get3A_2, %get3A_3] : memref<400x3xf32, #tpu.memory_space<vmem>>, vector<400x3xf32>
    %broadcast_in_dim3A = vector.shape_cast %get3A_4 : vector<400x3xf32> to vector<400x1x3xf32>
    %broadcast_in_dim3A_5 = vector.shape_cast %broadcast_in_dim3A : vector<400x1x3xf32> to vector<400x1x3xf32>
    %broadcast_in_dim3A_6 = vector.broadcast %broadcast_in_dim3A_5 : vector<400x1x3xf32> to vector<400x16x3xf32>
    %reshape3A = vector.shape_cast %broadcast_in_dim3A_6 : vector<400x16x3xf32> to vector<6400x3xf32>
    %get3A_7 = arith.constant 0 : index
    %get3A_8 = arith.constant 32 : index
    %get3A_9 = vector.load %arg1[%get3A_7, %get3A_8] : memref<6400x40xf32, #tpu.memory_space<vmem>>, vector<6400x1xf32>
    %slice3A = vector.extract_strided_slice %reshape3A {offsets = [0, 0], sizes = [6400, 1], strides = [1, 1]} : vector<6400x3xf32> to vector<6400x1xf32>
    %sub3A = arith.subf %get3A_9, %slice3A : vector<6400x1xf32>
    %get3A_10 = arith.constant 0 : index
    %get3A_11 = arith.constant 0 : index
    %get3A_12 = vector.load %arg3[%get3A_10, %get3A_11] : memref<8x16xf32, #tpu.memory_space<vmem>>, vector<1x16xf32>
    %sub3A_13 = vector.broadcast %sub3A : vector<6400x1xf32> to vector<6400x16xf32>
    %sub3A_14 = vector.broadcast %get3A_12 : vector<1x16xf32> to vector<6400x16xf32>
    %sub3A_15 = arith.subf %sub3A_13, %sub3A_14 : vector<6400x16xf32>
    %mul3A = arith.mulf %sub3A_15, %sub3A_15 : vector<6400x16xf32>
    %get3A_16 = arith.constant 0 : index
    %get3A_17 = arith.constant 33 : index
    %get3A_18 = vector.load %arg1[%get3A_16, %get3A_17] : memref<6400x40xf32, #tpu.memory_space<vmem>>, vector<6400x1xf32>
    %slice3A_19 = vector.extract_strided_slice %reshape3A {offsets = [0, 1], sizes = [6400, 1], strides = [1, 1]} : vector<6400x3xf32> to vector<6400x1xf32>
    %sub3A_20 = arith.subf %get3A_18, %slice3A_19 : vector<6400x1xf32>
    %get3A_21 = arith.constant 1 : index
    %get3A_22 = arith.constant 0 : index
    %get3A_23 = vector.load %arg3[%get3A_21, %get3A_22] : memref<8x16xf32, #tpu.memory_space<vmem>>, vector<1x16xf32>
    %sub3A_24 = vector.broadcast %sub3A_20 : vector<6400x1xf32> to vector<6400x16xf32>
    %sub3A_25 = vector.broadcast %get3A_23 : vector<1x16xf32> to vector<6400x16xf32>
    %sub3A_26 = arith.subf %sub3A_24, %sub3A_25 : vector<6400x16xf32>
    %mul3A_27 = arith.mulf %sub3A_26, %sub3A_26 : vector<6400x16xf32>
    %add3A = arith.addf %mul3A, %mul3A_27 : vector<6400x16xf32>
    %get3A_28 = arith.constant 0 : index
    %get3A_29 = arith.constant 34 : index
    %get3A_30 = vector.load %arg1[%get3A_28, %get3A_29] : memref<6400x40xf32, #tpu.memory_space<vmem>>, vector<6400x1xf32>
    %slice3A_31 = vector.extract_strided_slice %reshape3A {offsets = [0, 2], sizes = [6400, 1], strides = [1, 1]} : vector<6400x3xf32> to vector<6400x1xf32>
    %sub3A_32 = arith.subf %get3A_30, %slice3A_31 : vector<6400x1xf32>
    %get3A_33 = arith.constant 2 : index
    %get3A_34 = arith.constant 0 : index
    %get3A_35 = vector.load %arg3[%get3A_33, %get3A_34] : memref<8x16xf32, #tpu.memory_space<vmem>>, vector<1x16xf32>
    %sub3A_36 = vector.broadcast %sub3A_32 : vector<6400x1xf32> to vector<6400x16xf32>
    %sub3A_37 = vector.broadcast %get3A_35 : vector<1x16xf32> to vector<6400x16xf32>
    %sub3A_38 = arith.subf %sub3A_36, %sub3A_37 : vector<6400x16xf32>
    %mul3A_39 = arith.mulf %sub3A_38, %sub3A_38 : vector<6400x16xf32>
    %add3A_40 = arith.addf %add3A, %mul3A_39 : vector<6400x16xf32>
    %add3A_41 = arith.constant 9.99999996E-13 : f32
    %add3A_42 = vector.broadcast %add3A_41 : f32 to vector<6400x16xf32>
    %add3A_43 = arith.addf %add3A_40, %add3A_42 : vector<6400x16xf32>
    %sqrt3A = math.sqrt %add3A_43 : vector<6400x16xf32>
    %div3A = arith.constant 6.000000e-02 : f32
    %div3A_44 = vector.broadcast %div3A : f32 to vector<6400x16xf32>
    %div3A_45 = arith.divf %sqrt3A, %div3A_44 : vector<6400x16xf32>
    %sub3A_46 = arith.constant 1.000000e+00 : f32
    %sub3A_47 = vector.broadcast %sub3A_46 : f32 to vector<6400x16xf32>
    %sub3A_48 = arith.subf %sub3A_47, %div3A_45 : vector<6400x16xf32>
    %max3A = arith.constant 0.000000e+00 : f32
    %max3A_49 = vector.broadcast %max3A : f32 to vector<6400x16xf32>
    %max3A_50 = arith.maximumf %max3A_49, %sub3A_48 : vector<6400x16xf32>
    %get3A_51 = arith.constant 0 : index
    %get3A_52 = arith.constant 0 : index
    %get3A_53 = vector.load %arg5[%get3A_51, %get3A_52] : memref<32x512xf32, #tpu.memory_space<vmem>>, vector<32x512xf32>
    %dot_general3A = arith.constant dense<0.000000e+00> : vector<6400x512xf32>
    %dot_general3A_54 = tpu.matmul %get3A_1, %get3A_53, %dot_general3A {dimension_numbers = #tpu.dot_dimension_numbers<[1], [0], [0], [1], [0, 0, 1, 1], [], []>, transpose_lhs_hint = false} : vector<6400x32xf32>, vector<32x512xf32>, vector<6400x512xf32> -> vector<6400x512xf32>
    %get3A_55 = arith.constant 0 : index
    %get3A_56 = arith.constant 0 : index
    %get3A_57 = vector.load %arg4[%get3A_55, %get3A_56] : memref<16x512xf32, #tpu.memory_space<vmem>>, vector<16x512xf32>
    %dot_general3A_58 = arith.constant dense<0.000000e+00> : vector<6400x512xf32>
    %dot_general3A_59 = tpu.matmul %max3A_50, %get3A_57, %dot_general3A_58 {dimension_numbers = #tpu.dot_dimension_numbers<[1], [0], [0], [1], [0, 0, 1, 1], [], []>, transpose_lhs_hint = false} : vector<6400x16xf32>, vector<16x512xf32>, vector<6400x512xf32> -> vector<6400x512xf32>
    %mul3A_60 = arith.mulf %dot_general3A_54, %dot_general3A_59 : vector<6400x512xf32>
    %reshape3A_61 = vector.shape_cast %mul3A_60 : vector<6400x512xf32> to vector<400x16x512xf32>
    %reduce_sum3A = arith.constant dense<0.000000e+00> : vector<400x512xf32>
    %reduce_sum3A_62 = vector.multi_reduction <add>, %reshape3A_61, %reduce_sum3A [1] : vector<400x16x512xf32> to vector<400x512xf32>
    %get3A_63 = arith.constant 0 : index
    %get3A_64 = arith.constant 0 : index
    %get3A_65 = vector.load %arg6[%get3A_63, %get3A_64] : memref<512x32xf32, #tpu.memory_space<vmem>>, vector<512x32xf32>
    %dot_general3A_66 = arith.constant dense<0.000000e+00> : vector<400x32xf32>
    %dot_general3A_67 = tpu.matmul %reduce_sum3A_62, %get3A_65, %dot_general3A_66 {dimension_numbers = #tpu.dot_dimension_numbers<[1], [0], [0], [1], [0, 0, 1, 1], [], []>, transpose_lhs_hint = false} : vector<400x512xf32>, vector<512x32xf32>, vector<400x32xf32> -> vector<400x32xf32>
    %swap3A = arith.constant 0 : index
    %swap3A_68 = arith.constant 0 : index
    %swap3A_69 = vector.load %arg7[%swap3A, %swap3A_68] : memref<400x32xf32, #tpu.memory_space<vmem>>, vector<400x32xf32>
    tpu.vector_store %arg7[%swap3A, %swap3A_68], %dot_general3A_67 {strides = array<i32>} : memref<400x32xf32, #tpu.memory_space<vmem>>, vector<400x32xf32>,
    return
  }
  func.func @transform_0(%arg0: i32) -> (i32, i32) {
    %c0_i32 = arith.constant 0 : i32
    %c0_i32_0 = arith.constant 0 : i32
    return %arg0, %c0_i32 : i32, i32
  }
  func.func @transform_1(%arg0: i32) -> (i32, i32) {
    %c0_i32 = arith.constant 0 : i32
    %c0_i32_0 = arith.constant 0 : i32
    return %arg0, %c0_i32 : i32, i32
  }
  func.func @transform_2(%arg0: i32) -> (i32, i32) {
    %c0_i32 = arith.constant 0 : i32
    %c0_i32_0 = arith.constant 0 : i32
    %c0_i32_1 = arith.constant 0 : i32
    return %c0_i32, %c0_i32_0 : i32, i32
  }
  func.func @transform_3(%arg0: i32) -> (i32, i32) {
    %c0_i32 = arith.constant 0 : i32
    %c0_i32_0 = arith.constant 0 : i32
    %c0_i32_1 = arith.constant 0 : i32
    return %c0_i32, %c0_i32_0 : i32, i32
  }
  func.func @transform_4(%arg0: i32) -> (i32, i32) {
    %c0_i32 = arith.constant 0 : i32
    %c0_i32_0 = arith.constant 0 : i32
    %c0_i32_1 = arith.constant 0 : i32
    return %c0_i32, %c0_i32_0 : i32, i32
  }
  func.func @transform_5(%arg0: i32) -> (i32, i32) {
    %c0_i32 = arith.constant 0 : i32
    %c0_i32_0 = arith.constant 0 : i32
    %c0_i32_1 = arith.constant 0 : i32
    return %c0_i32, %c0_i32_0 : i32, i32
  }
  func.func @transform_6(%arg0: i32) -> (i32, i32) {
    %c0_i32 = arith.constant 0 : i32
    %c0_i32_0 = arith.constant 0 : i32
    return %arg0, %c0_i32 : i32, i32
  }
}

</mosaic_0001>

<sc_bundles>
// kernel: kernel.6.cloned.1.call-start
scs
__scs_entry_jumppad:
0x0: {  	(pc) =	sbr.rel $0x88, $3  }
0x1: {  	(tag) =	ssettag $0x0;
	lr =	simm.s32 $0x1  }
0x2: {  	[smem:$0x3F9C] =	sst lr;
	_ =	strace $0xD0000000  }
0x3: {  	_ = 	snop  }
0x4: {  	_ = 	snop  }
0x5: {  	_ = 	snop  }
0x6: {  	_ = 	snop  }
0x7: {  	_ = 	snop  }
__scs_overlays_trampoline_lowered:
0x8: {  	[smem:$0x3FAB] =	sst s0  }
0x9: {  	[smem:$0x3FAC] =	sst s1  }
0xa: {  	[smem:$0x3FAD] =	sst s2  }
0xb: {  	[smem:$0x3FAE] =	sst s3  }
0xc: {  	[smem:$0x3FAF] =	sst s4  }
0xd: {  	[smem:$0x3FB0] =	sst s5  }
0xe: {  	[smem:$0x3FB1] =	sst s6  }
0xf: {  	[smem:$0x3FB2] =	sst s7  }
0x10: {  	[smem:$0x3FB3] =	sst s8  }
0x11: {  	[smem:$0x3FB4] =	sst s9;
	s0 =	simm.s32 @!p0 $0x0  }
0x12: {  	s1 =	sld [smem:$0x3F9A];
	s0 =	simm.s32 @p0 $0x1  }
0x13: {  	[smem:$0x3FB5] =	sst s0;
	s0 =	simm.s32 @!p1 $0x0  }
0x14: {  	s2 =	sld [smem:$0x3F99];
	s0 =	simm.s32 @p1 $0x1  }
0x15: {  	[smem:$0x3FB6] =	sst s0;
	s0 =	simm.s32 @!p2 $0x0  }
0x16: {  	s3 =	sld [smem:$0x3FDB];
	s0 =	simm.s32 @p2 $0x1  }
0x17: {  	s4 =	simm.s32 $0x1BF5;
	[smem:$0x3FB8] =	sst s0  }
0x18: {  	s0 =	sld [smem:$0x3F9B];
	_ =	swait.ge [sflag:s4], $0x0  }
0x19: {  	s7 =	sld [smem:$0x3F9C]  }
0x1a: {  	s8 =	sadd.s32 $0xFFFFE003, lr  }
0x1b: {  	s9 =	sadd.s32 $0xFFFFFEF7, lr;
	s5 =	simm.s32 $0xFFFFFFFF;
	p2 =	slt.u32 s8, $0xFFFFF086  }
0x1c: {  	p1 =	slt.u32 s9, $0xF7A;
	s5 =	simm.s32 @!p2 $0x0  }
0x1d: {  	s5 =	simm.s32 @p1 $0x1;
	p0 =	seq.s32 s7, s2  }
0x1e: {  	s7 =	smul.u32 @!p0 $0xF7A, s2;
	p2 =	seq.s32 @!p0 s5, $0x0  }
0x1f: {  	s9 =	smul.u32 $0xF7A, s1;
	s8 =	simm.s32 @!p0 $0x1BF5;
	p2 =	por !p2, p0  }
0x20: {  	[sflag:s8] =	ssyncset.s32 @!p0 $0xFFFFF086;
	s6 =	sadd.s32 @!p0 s3, s7;
	s7 =	simm.s32 @!p0 $0x108  }
0x21: {  	s3 =	sadd.s32 s3, s9;
	s6 =	sadd.s32 @!p0 $0x88, s6;
	s7 =	simm.s32 @p2 $0x1082  }
0x22: {  	[simem:s7], [sflag:s8] =	dma.local @!p0 [hbm:s6], $0xF7A  }
0x23: {  	s9 =	sor.u32 $0xD0000000, s2;
	s6 =	simm.s32 $0x108;
	_ =	swait.ge @!p0 [sflag:s8], $0x0  }
0x24: {  	s3 =	sadd.s32 $0x88, s3;
	s6 =	simm.s32 @!p1 $0x1082;
	[sflag:s4] =	ssyncset.s32 $0xFFFFF086  }
0x25: {  	[simem:s6], [sflag:s4] =	dma.local [hbm:s3], $0xF7A  }
0x26: {  	[smem:$0x3F9C] =	sst s1;
	(tag) =	ssettag s2;
	_ =	strace s9  }
0x27: {  	s1 =	sld [smem:$0x3FAC]  }
0x28: {  	s2 =	sld [smem:$0x3FAD]  }
0x29: {  	s4 =	sld [smem:$0x3FAF]  }
0x2a: {  	p0 =	seq.s32 s5, $0x0;
	s5 =	sld [smem:$0x3FB0]  }
0x2b: {  	s6 =	sld [smem:$0x3FB1]  }
0x2c: {  	s7 =	sld [smem:$0x3FB2]  }
0x2d: {  	s3 =	simm.s32 $0x108;
	s8 =	sld [smem:$0x3FB3]  }
0x2e: {  	s3 =	simm.s32 @!p0 $0x1082;
	s9 =	sld [smem:$0x3FB4]  }
0x2f: {  	lr =	sadd.s32 s0, s3;
	s0 =	sld [smem:$0x3FAB]  }
0x30: {  	s3 =	sld [smem:$0x3FAE]  }
0x31: {  	[smem:$0x3FB7] =	sst s10  }
0x32: {  	s10 =	sld [smem:$0x3FB5];
	_ =	sdelay $0x3  }
0x33: {  	p0 =	seq.s32 s10, $0x1;
	s10 =	sld [smem:$0x3FB7];
	_ =	sdelay $0x3  }
0x34: {  	[smem:$0x3FB7] =	sst s10  }
0x35: {  	s10 =	sld [smem:$0x3FB6];
	_ =	sdelay $0x3  }
0x36: {  	p1 =	seq.s32 s10, $0x1;
	s10 =	sld [smem:$0x3FB7];
	_ =	sdelay $0x3  }
0x37: {  	[smem:$0x3FB7] =	sst s10  }
0x38: {  	s10 =	sld [smem:$0x3FB8]  }
0x39: {  	_ = 	snop;
	(pc) =	sbr.ind lr, $3  }
0x3a: {  	_ = 	snop  }
0x3b: {  	_ = 	snop  }
0x3c: {  	p2 =	seq.s32 s10, $0x1;
	s10 =	sld [smem:$0x3FB7]  }
0x3d: {  	_ =	shalt  }
0x3e: {  	_ =	shalt  }
0x3f: {  	_ =	shalt  }
0x40: {  	_ =	shalt  }
0x41: {  	_ =	shalt  }
0x42: {  	_ =	shalt  }
0x43: {  	_ =	shalt  }
0x44: {  	_ =	shalt  }
0x45: {  	_ =	shalt  }
0x46: {  	_ =	shalt  }
0x47: {  	_ =	shalt  }
0x48: {  	_ =	shalt  }
0x49: {  	_ =	shalt  }
0x4a: {  	_ =	shalt  }
0x4b: {  	_ =	shalt  }
0x4c: {  	_ =	shalt  }
0x4d: {  	_ =	shalt  }
0x4e: {  	_ =	shalt  }
0x4f: {  	_ =	shalt  }
0x50: {  	_ =	shalt  }
0x51: {  	_ =	shalt  }
0x52: {  	_ =	shalt  }
0x53: {  	_ =	shalt  }
0x54: {  	_ =	shalt  }
0x55: {  	_ =	shalt  }
0x56: {  	_ =	shalt  }
0x57: {  	_ =	shalt  }
0x58: {  	_ =	shalt  }
0x59: {  	_ =	shalt  }
0x5a: {  	_ =	shalt  }
0x5b: {  	_ =	shalt  }
0x5c: {  	_ =	shalt  }
0x5d: {  	_ =	shalt  }
0x5e: {  	_ =	shalt  }
0x5f: {  	_ =	shalt  }
0x60: {  	_ =	shalt  }
0x61: {  	_ =	shalt  }
0x62: {  	_ =	shalt  }
0x63: {  	_ =	shalt  }
0x64: {  	_ =	shalt  }
0x65: {  	_ =	shalt  }
0x66: {  	_ =	shalt  }
0x67: {  	_ =	shalt  }
0x68: {  	_ =	shalt  }
0x69: {  	_ =	shalt  }
0x6a: {  	_ =	shalt  }
0x6b: {  	_ =	shalt  }
0x6c: {  	_ =	shalt  }
0x6d: {  	_ =	shalt  }
0x6e: {  	_ =	shalt  }
0x6f: {  	_ =	shalt  }
0x70: {  	_ =	shalt  }
0x71: {  	_ =	shalt  }
0x72: {  	_ =	shalt  }
0x73: {  	_ =	shalt  }
0x74: {  	_ =	shalt  }
0x75: {  	_ =	shalt  }
0x76: {  	_ =	shalt  }
0x77: {  	_ =	shalt  }
0x78: {  	_ =	shalt  }
0x79: {  	_ =	shalt  }
0x7a: {  	_ =	shalt  }
0x7b: {  	_ =	shalt  }
0x7c: {  	_ =	shalt  }
0x7d: {  	_ =	shalt  }
0x7e: {  	_ =	shalt  }
0x7f: {  	_ =	shalt  }
0x80: {  	_ =	shalt  }
0x81: {  	_ =	shalt  }
0x82: {  	_ =	shalt  }
0x83: {  	_ =	shalt  }
0x84: {  	_ =	shalt  }
0x85: {  	_ =	shalt  }
0x86: {  	_ =	shalt  }
0x87: {  	_ =	shalt  }
.Lfunc_end0:
.L_simem_size_0:
called_computation_lowered:
.L_overlay_start_0:
0x88: {  	s2 =	sld [smem:$0x3FD9]  }
0x89: {  	s3 =	sld [smem:$0x3FFE];
	_ =	sdelay $0x1  }
0x8a: {  	s1 =	srdreg.scid  }
0x8b: {  	s0 =	sand.u32 $0x1, s1  }
0x8c: {  	s16 =	sshll.u32 s0, $0xA;
	s2 =	sadd.s32 s3, s2  }
0x8d: {  	s2 =	sadd.s32 s2, s16  }
0x8e: {  	[smem:$0x3FC3] =	sst s2  }
0x8f: {  	_ = 	snop  }
0x90: {  	(tm) =	ssettm $0x1  }
0x91: {  	s17 =	sld [smem:$0x3FFB];
	_ =	sdelay $0x3  }
0x92: {  	_ =	strace s17  }
0x93: {  	s2 =	sld [smem:$0x3FFC];
	_ =	sdelay $0x3  }
0x94: {  	_ =	strace s2  }
0x95: {  	s2 =	sld [smem:$0x3FFD];
	_ =	sdelay $0x3  }
0x96: {  	_ =	strace s2  }
0x97: {  	_ =	strace $0x8FFFFFFF  }
0x98: {  	s18 =	sld [smem:$0x3FDB];
	_ =	sdelay $0x1  }
0x99: {  	s19 =	simm.s32 $_scs_section_size  }
0x9a: {  	s4 =	simm.s32 $_size__tile_overlayer_lowered;
	s5 =	simm.s32 $_tile_overlayer_lowered  }
0x9b: {  	s22 =	simm.s32 $0x1BFF;
	s21 =	sshll.u32 s5, $0x1;
	s2 =	sadd.s32 s19, s18  }
0x9c: {  	s6 =	simm.s32 $0x0;
	s20 =	sshll.u32 s4, $0x1;
	s4 =	sadd.s32 s21, s2  }
0x9d: {  	[timem:s6], [sflag:s22] =	dma.local [hbm:s4], s20  }
0x9e: {  	_ =	swait.ge [sflag:s22], s20  }
0x9f: {  	s3 =	ssub.s32 $0x0, s20;
	[sflag:s22] =	ssyncset.done $0x0  }
0xa0: {  	[sflag:s22] =	ssyncadd.s32 s3;
	_ =	sdelay $0x1  }
0xa1: {  	s23 =	simm.s32 $0x1B8B  }
0xa2: {  	_ =	swait.ge [sflag:s23], $0x1  }
0xa3: {  	[sflag:s23] =	ssyncset.done $0x0  }
0xa4: {  	s25 =	simm.s32 $0x1B8E;
	s24 =	sld [smem:$0x3FFE];
	[sflag:s23] =	ssyncadd.s32 $0xFFFFFFFF  }
0xa5: {  	s26 =	simm.s32 $execute0_lowered;
	[smem:$0x3FD2] =	sst s25  }
0xa6: {  	s4 =	sshll.u32 s26, $0x1;
	_ =	strace $0x80000046;
	[dreg:$0x1] =	wrdreg $0xFFFFFFFF  }
0xa7: {  	s28 =	simm.s32 $_size_execute0_lowered;
	s2 =	sadd.s32 s2, s4;
	[dreg:$0x0] =	wrdreg $0x0  }
0xa8: {  	s4 =	sshll.u32 s28, $0x1;
	[dreg:$0x2] =	wrdreg s2  }
0xa9: {  	[dreg:$0x3] =	wrdreg s4  }
0xaa: {  	[dreg:$0x4] =	wrdreg $0xC0  }
0xab: {  	_ =	task [dreg:s6], $0x5FFFF  }
0xac: {  	[dreg:$0x1] =	wrdreg $0xFFFFFFFF  }
0xad: {  	[dreg:$0x0] =	wrdreg $0x60  }
0xae: {  	[dreg:$0x2] =	wrdreg s24  }
0xaf: {  	[dreg:$0x3] =	wrdreg $0x9  }
0xb0: {  	_ =	task.clear_ibuf [dreg:s6], $0x4FFFF;
	_ =	strace $0x90000046  }
0xb1: {  	s29 =	simm.s32 $0x9;
	_ =	strace $0x80000048  }
0xb2: {  	_ =	swait.ge [sflag:s29], $0x1  }
0xb3: {  	[sflag:s29] =	ssyncadd.s32 $0xFFFFFFFF  }
0xb4: {  	_ =	strace $0x90000048  }
0xb5: {  	_ =	sfence  }
0xb6: {  	s30 =	sld [smem:$0x0];
	_ =	sdelay $0x2  }
0xb7: {  	s31 =	sshll.u32 s1, $0xD;
	s1 =	sshrl.u32 s1, $0x2  }
0xb8: {  	s3 =	sand.u32 $0x4000, s31;
	s1 =	sadd.s32 s1, s30  }
0xb9: {  	s0 =	sor.u32 s3, s0;
	s1 =	sshll.u32 s1, $0x11  }
0xba: {  	s0 =	sor.u32 s1, s0  }
0xbb: {  	s0 =	sadd.s32 $0x8F2B, s0  }
0xbc: {  	[sflag:s0] =	ssyncadd.remote.s32 $0x1  }
0xbd: {  	_ =	sfence.sel $0xFFFF  }
0xbe: {  	[dreg:$0x0] =	wrdreg $0xFFFFFFFF;
	(pc) =	sbr.abs _section_cstart, $3  }
0xbf: {  	[dreg:$0x1] =	wrdreg $0xFFFFFFFF  }
0xc0: {  	_ =	task.clear_ibuf [dreg:s6], $0x2FFFF;
	_ =	strace $0x9FFFFFFF  }
0xc1: {  	(tm) =	ssettm $0x7FFFFFFF  }
tec
execute0_lowered:
.L_overlay_start_1:
0x0: {  	(tag) =	ssettag $0x1  }
0x1: {  	s1 =	srdreg.scid  }
0x2: {  	s0 =	stileid.u32;
	s4 =	rddreg [dreg:$0x0];
	s2 =	simm.s32 $0x0  }
0x3: {  	s13 =	simm.s32 $0xA410;
	s14 =	simm.s32 $0x2;
	s15 =	simm.s32 $0x3  }
0x4: {  	s16 =	simm.s32 $0x4;
	s17 =	simm.s32 $0x0;
	s7 =	sand.u32 $0x1, s1  }
0x5: {  	s3 =	sshll.u32 s0, $0x1;
	s1 =	rddreg [dreg:$0x1];
	s11 =	smul.u32 $0xC350, s0  }
0x6: {  	[smem:$0x7FF] =	sst s2;
	s9 =	sadd.s32 $0x203800, s4;
	s29 =	smul.u32 $0x3D090, s0  }
0x7: {  	s10 =	sadd.s32 $0x234600, s4;
	s3 =	sor.u32 s7, s3;
	s12 =	smul.u32 $0x61A8, s7  }
0x8: {  	_ =	strace $0x80000047;
	s6 =	ssub.s32 $0x2, s7;
	s7 =	smul.u32 $0x1E848, s7  }
0x9: {  	s5 =	smul.u32 $0x61A8, s3;
	s3 =	sadd.s32 $0x189600, s4;
	s26 =	sshrl.u32 s6, $0x1  }
0xa: {  	s6 =	ssub.s32 s6, s26;
	s11 =	sadd.s32 s12, s11;
	s12 =	simm.s32 $0x7D0  }
0xb: {  	s5 =	sadd.s32 $0x5DC0, s5;
	s6 =	smax.u32 s6, $0x1;
	s30 =	sshrl.u32 s11, $0x3  }
0xc: {  	s11 =	sadd.s32 $0x3E8, s11;
	s8 =	smul.u32 $0x5, s5;
	s28 =	sshrl.u32 s5, $0x3  }
0xd: {  	s31 =	sshrl.u32 s11, $0x3;
	s11 =	simm.s32 $0x1;
	s4 =	sadd.s32 s9, s28  }
0xe: {  	s5 =	sadd.s32 s10, s8;
	s8 =	sadd.s32 s29, s10;
	s10 =	simm.s32 $0x3E8  }
0xf: {  	s7 =	sadd.s32 s7, s8;
	s8 =	sadd.s32 s30, s9;
	s9 =	sadd.s32 s31, s9  }
.LBB2_1:
0x10: {  	s18 =	sadd.s32 $0x0, s8  }
0x11: {  	[tilespmem:s2], [sflag:$0x1] =	stream.linear.gather [hbm4b:s18+s2], $0x3E8, $0x38;
	[tilespmem:$0x14050] =	vst v63  }
0x12: {  	s30 =	sadd.s32 $0x0, s9  }
0x13: {  	[tilespmem:s10], [sflag:$0x1] =	stream.linear.gather [hbm4b:s30+s2], $0x3E8, $0x38;
	[tilespmem:$0x14050] =	vst v63  }
0x14: {  	_ =	swait.ge [sflag:s11], $0x3E8  }
0x15: {  	[sflag:s11] =	ssyncset.done $0x0  }
0x16: {  	[sflag:s11] =	ssyncadd.s32 $0xFFFFFC18  }
0x17: {  	[tilespmem:s12], [sflag:$0x2] =	stream.indirect.gather [hbm4b:s3+s10], $0x28, s2, s10, $0xb8;
	[tilespmem:$0x14050] =	vst v63  }
0x18: {  	_ =	swait.ge [sflag:s11], $0x3E8  }
0x19: {  	[sflag:s11] =	ssyncset.done $0x0  }
0x1a: {  	[sflag:s11] =	ssyncadd.s32 $0xFFFFFC18  }
0x1b: {  	[tilespmem:s13], [sflag:$0x2] =	stream.indirect.gather [hbm4b:s3+s10], $0x28, s10, s10, $0xb8;
	[tilespmem:$0x14050] =	vst v63  }
0x1c: {  	_ =	swait.ge [sflag:s14], $0x9C40  }
0x1d: {  	[sflag:s14] =	ssyncset.done $0x0  }
0x1e: {  	[sflag:s14] =	ssyncadd.s32 $0xFFFF63C0  }
0x1f: {  	[hbm4b:s7+s2] =	stream.linear.scatter [tilespmem:s12], [sflag:$0x3], $0x9C40, $0x38;
	[tilespmem:$0x14050] =	vst v63  }
0x20: {  	_ =	swait.ge [sflag:s14], $0x9C40  }
0x21: {  	[sflag:s14] =	ssyncset.done $0x0  }
0x22: {  	s31 =	sadd.s32 $0x1388, s7;
	[sflag:s14] =	ssyncadd.s32 $0xFFFF63C0  }
0x23: {  	[hbm4b:s31+s2] =	stream.linear.scatter [tilespmem:s13], [sflag:$0x3], $0x9C40, $0x38;
	[tilespmem:$0x14050] =	vst v63  }
0x24: {  	_ =	swait.ge [sflag:s15], $0x9C40  }
0x25: {  	[sflag:s15] =	ssyncset.done $0x0  }
0x26: {  	[sflag:s15] =	ssyncadd.s32 $0xFFFF63C0  }
0x27: {  	s19 =	simm.s32 $0xFA;
	_ =	swait.ge [sflag:s15], $0x9C40  }
0x28: {  	s20 =	simm.s32 $0x1F4;
	s18 =	sadd.s32 $0x2710, s7;
	[sflag:s15] =	ssyncset.done $0x0  }
.LBB2_2:
0x29: {  	s21 =	sadd.s32 s19, s8  }
0x2a: {  	[sflag:s15] =	ssyncadd.s32 $0xFFFF63C0;
	s22 =	smov.u32 s20;
	s23 =	sadd.s32 $0xFA, s20  }
0x2b: {  	[tilespmem:s2], [sflag:$0x1] =	stream.linear.gather [hbm4b:s21+s2], $0x3E8, $0x38;
	[tilespmem:$0x14050] =	vst v63  }
0x2c: {  	p0 =	sne.s32 s20, $0xABE;
	s20 =	sadd.s32 s19, s9;
	s19 =	smov.u32 s22  }
0x2d: {  	[tilespmem:s10], [sflag:$0x1] =	stream.linear.gather [hbm4b:s20+s2], $0x3E8, $0x38;
	[tilespmem:$0x14050] =	vst v63  }
0x2e: {  	_ =	swait.ge [sflag:s11], $0x3E8  }
0x2f: {  	[sflag:s11] =	ssyncset.done $0x0  }
0x30: {  	[sflag:s11] =	ssyncadd.s32 $0xFFFFFC18  }
0x31: {  	[tilespmem:s12], [sflag:$0x2] =	stream.indirect.gather [hbm4b:s3+s10], $0x28, s2, s10, $0xb8;
	[tilespmem:$0x14050] =	vst v63  }
0x32: {  	_ =	swait.ge [sflag:s11], $0x3E8  }
0x33: {  	[sflag:s11] =	ssyncset.done $0x0  }
0x34: {  	[sflag:s11] =	ssyncadd.s32 $0xFFFFFC18  }
0x35: {  	[tilespmem:s13], [sflag:$0x2] =	stream.indirect.gather [hbm4b:s3+s10], $0x28, s10, s10, $0xb8;
	[tilespmem:$0x14050] =	vst v63  }
0x36: {  	_ =	swait.ge [sflag:s14], $0x9C40  }
0x37: {  	[sflag:s14] =	ssyncset.done $0x0  }
0x38: {  	[sflag:s14] =	ssyncadd.s32 $0xFFFF63C0  }
0x39: {  	[hbm4b:s18+s2] =	stream.linear.scatter [tilespmem:s12], [sflag:$0x3], $0x9C40, $0x38;
	[tilespmem:$0x14050] =	vst v63  }
0x3a: {  	_ =	swait.ge [sflag:s14], $0x9C40  }
0x3b: {  	[sflag:s14] =	ssyncset.done $0x0  }
0x3c: {  	s20 =	sadd.s32 $0x1388, s18;
	[sflag:s14] =	ssyncadd.s32 $0xFFFF63C0  }
0x3d: {  	[hbm4b:s20+s2] =	stream.linear.scatter [tilespmem:s13], [sflag:$0x3], $0x9C40, $0x38;
	[tilespmem:$0x14050] =	vst v63  }
.Ltmp0:
0x3e: {  	_ =	swait.ge [sflag:s15], $0x9C40;
	(pc) =	sbr.rel @p0 .LBB2_2-.Ltmp0, $4  }
0x3f: {  	[sflag:s15] =	ssyncset.done $0x0  }
0x40: {  	[sflag:s15] =	ssyncadd.s32 $0xFFFF63C0  }
0x41: {  	_ =	swait.ge [sflag:s15], $0x9C40  }
0x42: {  	s18 =	sadd.s32 $0x2710, s18;
	s20 =	smov.u32 s23;
	[sflag:s15] =	ssyncset.done $0x0  }
0x43: {  	s20 =	sadd.s32 s19, s8;
	[sflag:s15] =	ssyncadd.s32 $0xFFFF63C0  }
0x44: {  	[tilespmem:s2], [sflag:$0x1] =	stream.linear.gather [hbm4b:s20+s2], $0x3E8, $0x38;
	[tilespmem:$0x14050] =	vst v63  }
0x45: {  	s30 =	sadd.s32 s19, s9  }
0x46: {  	[tilespmem:s10], [sflag:$0x1] =	stream.linear.gather [hbm4b:s30+s2], $0x3E8, $0x38;
	[tilespmem:$0x14050] =	vst v63  }
0x47: {  	_ =	swait.ge [sflag:s11], $0x3E8  }
0x48: {  	[sflag:s11] =	ssyncset.done $0x0  }
0x49: {  	[sflag:s11] =	ssyncadd.s32 $0xFFFFFC18  }
0x4a: {  	[tilespmem:s12], [sflag:$0x2] =	stream.indirect.gather [hbm4b:s3+s10], $0x28, s2, s10, $0xb8;
	[tilespmem:$0x14050] =	vst v63  }
0x4b: {  	_ =	swait.ge [sflag:s11], $0x3E8  }
0x4c: {  	[sflag:s11] =	ssyncset.done $0x0  }
0x4d: {  	[sflag:s11] =	ssyncadd.s32 $0xFFFFFC18  }
0x4e: {  	[tilespmem:s13], [sflag:$0x2] =	stream.indirect.gather [hbm4b:s3+s10], $0x28, s10, s10, $0xb8;
	[tilespmem:$0x14050] =	vst v63  }
0x4f: {  	_ =	swait.ge [sflag:s14], $0x9C40  }
0x50: {  	[sflag:s14] =	ssyncset.done $0x0  }
0x51: {  	[sflag:s14] =	ssyncadd.s32 $0xFFFF63C0  }
0x52: {  	[hbm4b:s18+s2] =	stream.linear.scatter [tilespmem:s12], [sflag:$0x3], $0x9C40, $0x38;
	[tilespmem:$0x14050] =	vst v63  }
0x53: {  	_ =	swait.ge [sflag:s14], $0x9C40  }
0x54: {  	[sflag:s14] =	ssyncset.done $0x0  }
0x55: {  	s31 =	sadd.s32 $0x1388, s18;
	[sflag:s14] =	ssyncadd.s32 $0xFFFF63C0  }
0x56: {  	[hbm4b:s31+s2] =	stream.linear.scatter [tilespmem:s13], [sflag:$0x3], $0x9C40, $0x38;
	[tilespmem:$0x14050] =	vst v63  }
0x57: {  	_ =	swait.ge [sflag:s15], $0x9C40  }
0x58: {  	[sflag:s15] =	ssyncset.done $0x0  }
0x59: {  	[sflag:s15] =	ssyncadd.s32 $0xFFFF63C0  }
0x5a: {  	_ =	swait.ge [sflag:s15], $0x9C40  }
0x5b: {  	[sflag:s15] =	ssyncset.done $0x0  }
0x5c: {  	[sflag:s15] =	ssyncadd.s32 $0xFFFF63C0  }
0x5d: {  	[tilespmem:s2], [sflag:$0x4] =	stream.linear.gather [hbm4b:s4+s2], $0x3E8, $0x38;
	[tilespmem:$0x14050] =	vst v63  }
0x5e: {  	_ =	swait.ge [sflag:s16], $0x3E8  }
0x5f: {  	[sflag:s16] =	ssyncset.done $0x0  }
0x60: {  	[sflag:s16] =	ssyncadd.s32 $0xFFFFFC18  }
0x61: {  	[tilespmem:s12], [sflag:$0x2] =	stream.indirect.gather [hbm4b:s3+s10], $0x28, s2, s10, $0xb8;
	[tilespmem:$0x14050] =	vst v63  }
0x62: {  	s17 =	sadd.s32 $0x1, s17;
	_ =	swait.ge [sflag:s14], $0x9C40  }
0x63: {  	p0 =	sne.s32 s17, s6;
	[sflag:s14] =	ssyncset.done $0x0  }
.Ltmp1:
0x64: {  	[sflag:s14] =	ssyncadd.s32 $0xFFFF63C0;
	(pc) =	sbr.rel @p0 .LBB2_1-.Ltmp1, $4  }
0x65: {  	[hbm4b:s5+s2] =	stream.linear.scatter [tilespmem:s12], [sflag:$0x4], $0x9C40, $0x38;
	[tilespmem:$0x14050] =	vst v63  }
0x66: {  	_ =	swait.ge [sflag:s16], $0x9C40  }
0x67: {  	[sflag:s16] =	ssyncset.done $0x0  }
0x68: {  	[sflag:s16] =	ssyncadd.s32 $0xFFFF63C0  }
0x69: {  	_ =	sfence.sel $0x180000  }
0x6a: {  	[bflag:$0x0] =	sbarrier.arrive $0xFFFF  }
0x6b: {  	p0 =	sne.s32 s0, $0x0;
	_ =	strace $0x90000047  }
0x6c: {  	s0 =	sadd.s32 @!p0 $0x100000, s1;
	[bflag:$0x2] =	sbarrier.arrive $0xFFFF  }
0x6d: {  	[sflag:s0] =	ssyncadd.tile.s32 @!p0 $0x1;
	_ =	shalt  }
.Lfunc_end2:
_tile_overlayer_lowered:
.L_overlay_start_2:
0x6e: {  	(tag) =	ssettag $0x2  }
0x6f: {  	s0 =	rddreg [dreg:$0x0];
	s2 =	stileid.u32  }
0x70: {  	s1 =	rddreg [dreg:$0x1];
	p0 =	sne.s32 s2, $0x0  }
0x71: {  	s3 =	rddreg [dreg:$0x2];
	[bflag:$0x3] =	sbarrier.arrive $0xFFFF;
	s2 =	simm.s32 @!p0 $0x1C04  }
0x72: {  	[timem:s3], [sflag:s2] =	dma.local @!p0 [hbm:s0], s1  }
0x73: {  	s0 =	simm.s32 @!p0 $0x4  }
0x74: {  	_ =	swait.ge @!p0 [sflag:s0], s1  }
0x75: {  	s1 =	ssub.s32 @!p0 $0x0, s1;
	[sflag:s0] =	ssyncset.done @!p0 $0x0  }
0x76: {  	[sflag:s0] =	ssyncadd.s32 @!p0 s1  }
0x77: {  	[bflag:$0x3] =	sbarrier.arrive $0xFFFF  }
0x78: {  	_ =	shalt  }

// kernel: kernel.9.cloned.1.call-start
scs
__scs_entry_jumppad:
0x0: {  	(pc) =	sbr.rel $0x88, $3  }
0x1: {  	(tag) =	ssettag $0x0;
	lr =	simm.s32 $0x1  }
0x2: {  	[smem:$0x3F9C] =	sst lr;
	_ =	strace $0xD0000000  }
0x3: {  	_ = 	snop  }
0x4: {  	_ = 	snop  }
0x5: {  	_ = 	snop  }
0x6: {  	_ = 	snop  }
0x7: {  	_ = 	snop  }
__scs_overlays_trampoline_lowered:
0x8: {  	[smem:$0x3FAB] =	sst s0  }
0x9: {  	[smem:$0x3FAC] =	sst s1  }
0xa: {  	[smem:$0x3FAD] =	sst s2  }
0xb: {  	[smem:$0x3FAE] =	sst s3  }
0xc: {  	[smem:$0x3FAF] =	sst s4  }
0xd: {  	[smem:$0x3FB0] =	sst s5  }
0xe: {  	[smem:$0x3FB1] =	sst s6  }
0xf: {  	[smem:$0x3FB2] =	sst s7  }
0x10: {  	[smem:$0x3FB3] =	sst s8  }
0x11: {  	[smem:$0x3FB4] =	sst s9;
	s0 =	simm.s32 @!p0 $0x0  }
0x12: {  	s1 =	sld [smem:$0x3F9A];
	s0 =	simm.s32 @p0 $0x1  }
0x13: {  	[smem:$0x3FB5] =	sst s0;
	s0 =	simm.s32 @!p1 $0x0  }
0x14: {  	s2 =	sld [smem:$0x3F99];
	s0 =	simm.s32 @p1 $0x1  }
0x15: {  	[smem:$0x3FB6] =	sst s0;
	s0 =	simm.s32 @!p2 $0x0  }
0x16: {  	s3 =	sld [smem:$0x3FDB];
	s0 =	simm.s32 @p2 $0x1  }
0x17: {  	s4 =	simm.s32 $0x1BF5;
	[smem:$0x3FB8] =	sst s0  }
0x18: {  	s0 =	sld [smem:$0x3F9B];
	_ =	swait.ge [sflag:s4], $0x0  }
0x19: {  	s7 =	sld [smem:$0x3F9C]  }
0x1a: {  	s8 =	sadd.s32 $0xFFFFE003, lr  }
0x1b: {  	s9 =	sadd.s32 $0xFFFFFEF7, lr;
	s5 =	simm.s32 $0xFFFFFFFF;
	p2 =	slt.u32 s8, $0xFFFFF086  }
0x1c: {  	p1 =	slt.u32 s9, $0xF7A;
	s5 =	simm.s32 @!p2 $0x0  }
0x1d: {  	s5 =	simm.s32 @p1 $0x1;
	p0 =	seq.s32 s7, s2  }
0x1e: {  	s7 =	smul.u32 @!p0 $0xF7A, s2;
	p2 =	seq.s32 @!p0 s5, $0x0  }
0x1f: {  	s9 =	smul.u32 $0xF7A, s1;
	s8 =	simm.s32 @!p0 $0x1BF5;
	p2 =	por !p2, p0  }
0x20: {  	[sflag:s8] =	ssyncset.s32 @!p0 $0xFFFFF086;
	s6 =	sadd.s32 @!p0 s3, s7;
	s7 =	simm.s32 @!p0 $0x108  }
0x21: {  	s3 =	sadd.s32 s3, s9;
	s6 =	sadd.s32 @!p0 $0x88, s6;
	s7 =	simm.s32 @p2 $0x1082  }
0x22: {  	[simem:s7], [sflag:s8] =	dma.local @!p0 [hbm:s6], $0xF7A  }
0x23: {  	s9 =	sor.u32 $0xD0000000, s2;
	s6 =	simm.s32 $0x108;
	_ =	swait.ge @!p0 [sflag:s8], $0x0  }
0x24: {  	s3 =	sadd.s32 $0x88, s3;
	s6 =	simm.s32 @!p1 $0x1082;
	[sflag:s4] =	ssyncset.s32 $0xFFFFF086  }
0x25: {  	[simem:s6], [sflag:s4] =	dma.local [hbm:s3], $0xF7A  }
0x26: {  	[smem:$0x3F9C] =	sst s1;
	(tag) =	ssettag s2;
	_ =	strace s9  }
0x27: {  	s1 =	sld [smem:$0x3FAC]  }
0x28: {  	s2 =	sld [smem:$0x3FAD]  }
0x29: {  	s4 =	sld [smem:$0x3FAF]  }
0x2a: {  	p0 =	seq.s32 s5, $0x0;
	s5 =	sld [smem:$0x3FB0]  }
0x2b: {  	s6 =	sld [smem:$0x3FB1]  }
0x2c: {  	s7 =	sld [smem:$0x3FB2]  }
0x2d: {  	s3 =	simm.s32 $0x108;
	s8 =	sld [smem:$0x3FB3]  }
0x2e: {  	s3 =	simm.s32 @!p0 $0x1082;
	s9 =	sld [smem:$0x3FB4]  }
0x2f: {  	lr =	sadd.s32 s0, s3;
	s0 =	sld [smem:$0x3FAB]  }
0x30: {  	s3 =	sld [smem:$0x3FAE]  }
0x31: {  	[smem:$0x3FB7] =	sst s10  }
0x32: {  	s10 =	sld [smem:$0x3FB5];
	_ =	sdelay $0x3  }
0x33: {  	p0 =	seq.s32 s10, $0x1;
	s10 =	sld [smem:$0x3FB7];
	_ =	sdelay $0x3  }
0x34: {  	[smem:$0x3FB7] =	sst s10  }
0x35: {  	s10 =	sld [smem:$0x3FB6];
	_ =	sdelay $0x3  }
0x36: {  	p1 =	seq.s32 s10, $0x1;
	s10 =	sld [smem:$0x3FB7];
	_ =	sdelay $0x3  }
0x37: {  	[smem:$0x3FB7] =	sst s10  }
0x38: {  	s10 =	sld [smem:$0x3FB8]  }
0x39: {  	_ = 	snop;
	(pc) =	sbr.ind lr, $3  }
0x3a: {  	_ = 	snop  }
0x3b: {  	_ = 	snop  }
0x3c: {  	p2 =	seq.s32 s10, $0x1;
	s10 =	sld [smem:$0x3FB7]  }
0x3d: {  	_ =	shalt  }
0x3e: {  	_ =	shalt  }
0x3f: {  	_ =	shalt  }
0x40: {  	_ =	shalt  }
0x41: {  	_ =	shalt  }
0x42: {  	_ =	shalt  }
0x43: {  	_ =	shalt  }
0x44: {  	_ =	shalt  }
0x45: {  	_ =	shalt  }
0x46: {  	_ =	shalt  }
0x47: {  	_ =	shalt  }
0x48: {  	_ =	shalt  }
0x49: {  	_ =	shalt  }
0x4a: {  	_ =	shalt  }
0x4b: {  	_ =	shalt  }
0x4c: {  	_ =	shalt  }
0x4d: {  	_ =	shalt  }
0x4e: {  	_ =	shalt  }
0x4f: {  	_ =	shalt  }
0x50: {  	_ =	shalt  }
0x51: {  	_ =	shalt  }
0x52: {  	_ =	shalt  }
0x53: {  	_ =	shalt  }
0x54: {  	_ =	shalt  }
0x55: {  	_ =	shalt  }
0x56: {  	_ =	shalt  }
0x57: {  	_ =	shalt  }
0x58: {  	_ =	shalt  }
0x59: {  	_ =	shalt  }
0x5a: {  	_ =	shalt  }
0x5b: {  	_ =	shalt  }
0x5c: {  	_ =	shalt  }
0x5d: {  	_ =	shalt  }
0x5e: {  	_ =	shalt  }
0x5f: {  	_ =	shalt  }
0x60: {  	_ =	shalt  }
0x61: {  	_ =	shalt  }
0x62: {  	_ =	shalt  }
0x63: {  	_ =	shalt  }
0x64: {  	_ =	shalt  }
0x65: {  	_ =	shalt  }
0x66: {  	_ =	shalt  }
0x67: {  	_ =	shalt  }
0x68: {  	_ =	shalt  }
0x69: {  	_ =	shalt  }
0x6a: {  	_ =	shalt  }
0x6b: {  	_ =	shalt  }
0x6c: {  	_ =	shalt  }
0x6d: {  	_ =	shalt  }
0x6e: {  	_ =	shalt  }
0x6f: {  	_ =	shalt  }
0x70: {  	_ =	shalt  }
0x71: {  	_ =	shalt  }
0x72: {  	_ =	shalt  }
0x73: {  	_ =	shalt  }
0x74: {  	_ =	shalt  }
0x75: {  	_ =	shalt  }
0x76: {  	_ =	shalt  }
0x77: {  	_ =	shalt  }
0x78: {  	_ =	shalt  }
0x79: {  	_ =	shalt  }
0x7a: {  	_ =	shalt  }
0x7b: {  	_ =	shalt  }
0x7c: {  	_ =	shalt  }
0x7d: {  	_ =	shalt  }
0x7e: {  	_ =	shalt  }
0x7f: {  	_ =	shalt  }
0x80: {  	_ =	shalt  }
0x81: {  	_ =	shalt  }
0x82: {  	_ =	shalt  }
0x83: {  	_ =	shalt  }
0x84: {  	_ =	shalt  }
0x85: {  	_ =	shalt  }
0x86: {  	_ =	shalt  }
0x87: {  	_ =	shalt  }
.Lfunc_end0:
.L_simem_size_0:
called_computation.1_lowered:
.L_overlay_start_0:
0x88: {  	s2 =	sld [smem:$0x3FD9]  }
0x89: {  	s3 =	sld [smem:$0x3FFE];
	_ =	sdelay $0x1  }
0x8a: {  	s1 =	srdreg.scid  }
0x8b: {  	s0 =	sand.u32 $0x1, s1  }
0x8c: {  	s17 =	sshll.u32 s0, $0xA;
	s2 =	sadd.s32 s3, s2  }
0x8d: {  	s2 =	sadd.s32 s2, s17  }
0x8e: {  	[smem:$0x3FC3] =	sst s2  }
0x8f: {  	_ = 	snop  }
0x90: {  	(tm) =	ssettm $0x1  }
0x91: {  	s18 =	sld [smem:$0x3FFB];
	_ =	sdelay $0x3  }
0x92: {  	_ =	strace s18  }
0x93: {  	s2 =	sld [smem:$0x3FFC];
	_ =	sdelay $0x3  }
0x94: {  	_ =	strace s2  }
0x95: {  	s2 =	sld [smem:$0x3FFD];
	_ =	sdelay $0x3  }
0x96: {  	_ =	strace s2  }
0x97: {  	_ =	strace $0x8FFFFFFF  }
0x98: {  	s19 =	sld [smem:$0x3FDB];
	_ =	sdelay $0x1  }
0x99: {  	s20 =	simm.s32 $_scs_section_size  }
0x9a: {  	s4 =	simm.s32 $_size__tile_overlayer_lowered;
	s5 =	simm.s32 $_tile_overlayer_lowered  }
0x9b: {  	s6 =	simm.s32 $0x1BFF;
	s21 =	sshll.u32 s5, $0x1;
	s3 =	sadd.s32 s20, s19  }
0x9c: {  	s22 =	simm.s32 $0x0;
	s4 =	sshll.u32 s4, $0x1;
	s5 =	sadd.s32 s21, s3  }
0x9d: {  	[timem:s22], [sflag:s6] =	dma.local [hbm:s5], s4  }
0x9e: {  	_ =	swait.ge [sflag:s6], s4  }
0x9f: {  	s4 =	ssub.s32 $0x0, s4;
	[sflag:s6] =	ssyncset.done $0x0  }
0xa0: {  	[sflag:s6] =	ssyncadd.s32 s4;
	_ =	sdelay $0x1  }
0xa1: {  	s23 =	simm.s32 $0x1B8B  }
0xa2: {  	_ =	swait.ge [sflag:s23], $0x1  }
0xa3: {  	[sflag:s23] =	ssyncset.done $0x0  }
0xa4: {  	[sflag:s23] =	ssyncadd.s32 $0xFFFFFFFF  }
0xa5: {  	s4 =	sld [smem:$0x0]  }
0xa6: {  	s5 =	sand.u32 $0xFFFFFFFE, s1  }
0xa7: {  	p0 =	sne.s32 s1, s5  }
0xa8: {  	s5 =	sshll.u32 @p0 s5, $0xE  }
0xa9: {  	s5 =	sadd.s32 @p0 $0x11B8D, s5;
	s6 =	sshll.u32 @p0 s4, $0x11  }
0xaa: {  	s5 =	sor.u32 @p0 s6, s5  }
0xab: {  	[sflag:s5] =	ssyncadd.remote.s32 @p0 $0x1;
	_ =	sdelay $0x1  }
0xac: {  	s5 =	simm.s32 @p0 $0x1B8D  }
0xad: {  	_ =	swait.eq @p0 [sflag:s5], $0x1  }
0xae: {  	[sflag:s5] =	ssyncadd.s32 @p0 $0xFFFFFFFF  }
0xaf: {  	s6 =	sshll.u32 @!p0 s1, $0xE  }
0xb0: {  	s6 =	sor.u32 @!p0 $0x4000, s6;
	s5 =	simm.s32 @!p0 $0x1B8D  }
0xb1: {  	s4 =	sshll.u32 @!p0 s4, $0x11;
	s6 =	sadd.s32 @!p0 $0x11B8D, s6;
	_ =	swait.eq @!p0 [sflag:s5], $0x1  }
0xb2: {  	s4 =	sor.u32 @!p0 s4, s6;
	[sflag:s5] =	ssyncadd.s32 @!p0 $0xFFFFFFFF  }
0xb3: {  	s25 =	simm.s32 $0x1B8E;
	s24 =	sld [smem:$0x3FFE];
	[sflag:s4] =	ssyncadd.remote.s32 @!p0 $0x1  }
0xb4: {  	s26 =	simm.s32 $execute0_lowered;
	[smem:$0x3FD2] =	sst s25  }
0xb5: {  	s5 =	sshll.u32 s26, $0x1;
	_ =	strace $0x80000049;
	[dreg:$0x1] =	wrdreg $0xFFFFFFFF  }
0xb6: {  	s28 =	simm.s32 $_size_execute0_lowered;
	s3 =	sadd.s32 s3, s5;
	[dreg:$0x0] =	wrdreg $0x0  }
0xb7: {  	s5 =	sshll.u32 s28, $0x1;
	[dreg:$0x2] =	wrdreg s3  }
0xb8: {  	[dreg:$0x3] =	wrdreg s5  }
0xb9: {  	[dreg:$0x4] =	wrdreg $0xC0  }
0xba: {  	_ =	task [dreg:s22], $0x5FFFF  }
0xbb: {  	[dreg:$0x1] =	wrdreg $0xFFFFFFFF  }
0xbc: {  	[dreg:$0x0] =	wrdreg $0x60  }
0xbd: {  	[dreg:$0x2] =	wrdreg s24  }
0xbe: {  	[dreg:$0x3] =	wrdreg $0xA  }
0xbf: {  	_ =	task.clear_ibuf [dreg:s22], $0x4FFFF;
	_ =	strace $0x90000049  }
0xc0: {  	s29 =	simm.s32 $0xA;
	_ =	strace $0x8000004B  }
0xc1: {  	_ =	swait.ge [sflag:s29], $0x1  }
0xc2: {  	[sflag:s29] =	ssyncadd.s32 $0xFFFFFFFF  }
0xc3: {  	_ =	strace $0x9000004B  }
0xc4: {  	_ =	sfence  }
0xc5: {  	s30 =	sld [smem:$0x0];
	_ =	sdelay $0x2  }
0xc6: {  	s31 =	sshll.u32 s1, $0xD;
	s1 =	sshrl.u32 s1, $0x2  }
0xc7: {  	s4 =	sand.u32 $0x4000, s31;
	s1 =	sadd.s32 s1, s30  }
0xc8: {  	s0 =	sor.u32 s4, s0;
	s1 =	sshll.u32 s1, $0x11  }
0xc9: {  	s0 =	sor.u32 s1, s0  }
0xca: {  	s0 =	sadd.s32 $0x8F2B, s0  }
0xcb: {  	[sflag:s0] =	ssyncadd.remote.s32 $0x1  }
0xcc: {  	_ =	sfence.sel $0xFFFF  }
0xcd: {  	[dreg:$0x0] =	wrdreg $0xFFFFFFFF;
	(pc) =	sbr.abs _section_cstart, $3  }
0xce: {  	[dreg:$0x1] =	wrdreg $0xFFFFFFFF  }
0xcf: {  	_ =	task.clear_ibuf [dreg:s22], $0x2FFFF;
	_ =	strace $0x9FFFFFFF  }
0xd0: {  	(tm) =	ssettm $0x7FFFFFFF  }
0xd1: {  	_ =	shalt  }
tec
execute0_lowered:
.L_overlay_start_1:
0x0: {  	(tag) =	ssettag $0x1  }
0x1: {  	s4 =	rddreg [dreg:$0x0]  }
0x2: {  	s0 =	rddreg [dreg:$0x1]  }
0x3: {  	s3 =	srdreg.scid;
	s1 =	stileid.u32  }
0x4: {  	s2 =	simm.s32 $0x0;
	s16 =	simm.s32 $0x3;
	s9 =	smul.u32 $0x3D090, s1  }
0x5: {  	s17 =	simm.s32 $0x4;
	s18 =	simm.s32 $0x0;
	s12 =	smul.u32 $0x1E8480, s1  }
0x6: {  	s7 =	sand.u32 $0x1, s3;
	s22 =	sshll.u32 s1, $0x1;
	s14 =	smul.u32 $0xC350, s1  }
0x7: {  	[smem:$0x7FF] =	sst s2;
	s3 =	sadd.s32 $0x189600, s4;
	s13 =	smul.u32 $0xF4240, s7  }
0x8: {  	s10 =	sadd.s32 $0x203800, s4;
	s11 =	sadd.s32 $0x605000, s4;
	s15 =	smul.u32 $0x61A8, s7  }
0x9: {  	s5 =	sor.u32 s7, s22;
	s8 =	ssub.s32 $0x2, s7;
	s7 =	smul.u32 $0x1E848, s7  }
0xa: {  	_ =	strace $0x8000004A;
	s6 =	smul.u32 $0x61A8, s5;
	s23 =	sshrl.u32 s8, $0x1  }
0xb: {  	s5 =	smul.u32 $0xF4240, s5;
	s25 =	sadd.s32 s9, s11;
	s8 =	ssub.s32 s8, s23  }
0xc: {  	s26 =	sadd.s32 s13, s12;
	s28 =	sadd.s32 s15, s14;
	s7 =	sadd.s32 s7, s25  }
0xd: {  	s13 =	simm.s32 $0x7D0;
	s14 =	simm.s32 $0xA410;
	s15 =	simm.s32 $0x2  }
0xe: {  	s24 =	sshrl.u32 s6, $0x3;
	s5 =	sshrl.u32 s5, $0x3;
	s6 =	smax.u32 s8, $0x1  }
0xf: {  	s29 =	sadd.s32 $0x9C40, s26;
	s30 =	sadd.s32 $0xC38E8, s28;
	s12 =	sadd.s32 $0xC3500, s28  }
0x10: {  	s4 =	sadd.s32 s10, s24;
	s5 =	sadd.s32 s11, s5;
	s8 =	sshrl.u32 s29, $0x3  }
0x11: {  	s9 =	sshrl.u32 s30, $0x3;
	s31 =	sshrl.u32 s12, $0x3;
	s12 =	simm.s32 $0x1  }
0x12: {  	s4 =	sadd.s32 $0x19258, s4;
	s5 =	sadd.s32 $0x1D4C0, s5;
	s8 =	sadd.s32 s8, s11  }
0x13: {  	s9 =	sadd.s32 s9, s10;
	s10 =	sadd.s32 s31, s10;
	s11 =	simm.s32 $0x3E8  }
.LBB2_1:
0x14: {  	s19 =	sadd.s32 $0x0, s10  }
0x15: {  	[tilespmem:s2], [sflag:$0x1] =	stream.linear.gather [hbm4b:s19+s2], $0x3E8, $0x38;
	[tilespmem:$0x14050] =	vst v63  }
0x16: {  	s31 =	sadd.s32 $0x0, s9  }
0x17: {  	[tilespmem:s11], [sflag:$0x1] =	stream.linear.gather [hbm4b:s31+s2], $0x3E8, $0x38;
	[tilespmem:$0x14050] =	vst v63  }
0x18: {  	_ =	swait.ge [sflag:s12], $0x3E8  }
0x19: {  	[sflag:s12] =	ssyncset.done $0x0  }
0x1a: {  	[sflag:s12] =	ssyncadd.s32 $0xFFFFFC18  }
0x1b: {  	[tilespmem:s13], [sflag:$0x2] =	stream.indirect.gather [hbm4b:s3+s11], $0x28, s2, s11, $0xb8;
	[tilespmem:$0x14050] =	vst v63  }
0x1c: {  	_ =	swait.ge [sflag:s12], $0x3E8  }
0x1d: {  	[sflag:s12] =	ssyncset.done $0x0  }
0x1e: {  	[sflag:s12] =	ssyncadd.s32 $0xFFFFFC18  }
0x1f: {  	[tilespmem:s14], [sflag:$0x2] =	stream.indirect.gather [hbm4b:s3+s11], $0x28, s11, s11, $0xb8;
	[tilespmem:$0x14050] =	vst v63  }
0x20: {  	_ =	swait.ge [sflag:s15], $0x9C40  }
0x21: {  	[sflag:s15] =	ssyncset.done $0x0  }
0x22: {  	[sflag:s15] =	ssyncadd.s32 $0xFFFF63C0  }
0x23: {  	[hbm4b:s7+s2] =	stream.linear.scatter [tilespmem:s13], [sflag:$0x3], $0x9C40, $0x38;
	[tilespmem:$0x14050] =	vst v63  }
0x24: {  	_ =	swait.ge [sflag:s15], $0x9C40  }
0x25: {  	[sflag:s15] =	ssyncset.done $0x0  }
0x26: {  	[sflag:s15] =	ssyncadd.s32 $0xFFFF63C0  }
0x27: {  	[hbm4b:s8+s2] =	stream.linear.scatter [tilespmem:s14], [sflag:$0x3], $0x9C40, $0x38;
	[tilespmem:$0x14050] =	vst v63  }
0x28: {  	_ =	swait.ge [sflag:s16], $0x9C40  }
0x29: {  	[sflag:s16] =	ssyncset.done $0x0  }
0x2a: {  	[sflag:s16] =	ssyncadd.s32 $0xFFFF63C0  }
0x2b: {  	s21 =	simm.s32 $0xFA;
	s22 =	simm.s32 $0x1F4;
	_ =	swait.ge [sflag:s16], $0x9C40  }
0x2c: {  	s20 =	sadd.s32 $0x2710, s7;
	s19 =	sadd.s32 $0x2710, s8;
	[sflag:s16] =	ssyncset.done $0x0  }
.LBB2_2:
0x2d: {  	s23 =	sadd.s32 s21, s10  }
0x2e: {  	[sflag:s16] =	ssyncadd.s32 $0xFFFF63C0;
	s24 =	smov.u32 s22;
	s25 =	sadd.s32 $0xFA, s22  }
0x2f: {  	[tilespmem:s2], [sflag:$0x1] =	stream.linear.gather [hbm4b:s23+s2], $0x3E8, $0x38;
	[tilespmem:$0x14050] =	vst v63  }
0x30: {  	p0 =	sne.s32 s22, $0xABE;
	s22 =	sadd.s32 s21, s9;
	s21 =	smov.u32 s24  }
0x31: {  	[tilespmem:s11], [sflag:$0x1] =	stream.linear.gather [hbm4b:s22+s2], $0x3E8, $0x38;
	[tilespmem:$0x14050] =	vst v63  }
0x32: {  	_ =	swait.ge [sflag:s12], $0x3E8  }
0x33: {  	[sflag:s12] =	ssyncset.done $0x0  }
0x34: {  	[sflag:s12] =	ssyncadd.s32 $0xFFFFFC18  }
0x35: {  	[tilespmem:s13], [sflag:$0x2] =	stream.indirect.gather [hbm4b:s3+s11], $0x28, s2, s11, $0xb8;
	[tilespmem:$0x14050] =	vst v63  }
0x36: {  	_ =	swait.ge [sflag:s12], $0x3E8  }
0x37: {  	[sflag:s12] =	ssyncset.done $0x0  }
0x38: {  	[sflag:s12] =	ssyncadd.s32 $0xFFFFFC18  }
0x39: {  	[tilespmem:s14], [sflag:$0x2] =	stream.indirect.gather [hbm4b:s3+s11], $0x28, s11, s11, $0xb8;
	[tilespmem:$0x14050] =	vst v63  }
0x3a: {  	_ =	swait.ge [sflag:s15], $0x9C40  }
0x3b: {  	[sflag:s15] =	ssyncset.done $0x0  }
0x3c: {  	[sflag:s15] =	ssyncadd.s32 $0xFFFF63C0  }
0x3d: {  	[hbm4b:s20+s2] =	stream.linear.scatter [tilespmem:s13], [sflag:$0x3], $0x9C40, $0x38;
	[tilespmem:$0x14050] =	vst v63  }
0x3e: {  	_ =	swait.ge [sflag:s15], $0x9C40  }
0x3f: {  	[sflag:s15] =	ssyncset.done $0x0  }
0x40: {  	[sflag:s15] =	ssyncadd.s32 $0xFFFF63C0  }
0x41: {  	[hbm4b:s19+s2] =	stream.linear.scatter [tilespmem:s14], [sflag:$0x3], $0x9C40, $0x38;
	[tilespmem:$0x14050] =	vst v63  }
.Ltmp0:
0x42: {  	_ =	swait.ge [sflag:s16], $0x9C40;
	(pc) =	sbr.rel @p0 .LBB2_2-.Ltmp0, $4  }
0x43: {  	[sflag:s16] =	ssyncset.done $0x0  }
0x44: {  	[sflag:s16] =	ssyncadd.s32 $0xFFFF63C0  }
0x45: {  	s22 =	smov.u32 s25;
	_ =	swait.ge [sflag:s16], $0x9C40  }
0x46: {  	s20 =	sadd.s32 $0x2710, s20;
	s19 =	sadd.s32 $0x2710, s19;
	[sflag:s16] =	ssyncset.done $0x0  }
0x47: {  	s22 =	sadd.s32 s21, s10;
	[sflag:s16] =	ssyncadd.s32 $0xFFFF63C0  }
0x48: {  	[tilespmem:s2], [sflag:$0x1] =	stream.linear.gather [hbm4b:s22+s2], $0x3E8, $0x38;
	[tilespmem:$0x14050] =	vst v63  }
0x49: {  	s31 =	sadd.s32 s21, s9  }
0x4a: {  	[tilespmem:s11], [sflag:$0x1] =	stream.linear.gather [hbm4b:s31+s2], $0x3E8, $0x38;
	[tilespmem:$0x14050] =	vst v63  }
0x4b: {  	_ =	swait.ge [sflag:s12], $0x3E8  }
0x4c: {  	[sflag:s12] =	ssyncset.done $0x0  }
0x4d: {  	[sflag:s12] =	ssyncadd.s32 $0xFFFFFC18  }
0x4e: {  	[tilespmem:s13], [sflag:$0x2] =	stream.indirect.gather [hbm4b:s3+s11], $0x28, s2, s11, $0xb8;
	[tilespmem:$0x14050] =	vst v63  }
0x4f: {  	_ =	swait.ge [sflag:s12], $0x3E8  }
0x50: {  	[sflag:s12] =	ssyncset.done $0x0  }
0x51: {  	[sflag:s12] =	ssyncadd.s32 $0xFFFFFC18  }
0x52: {  	[tilespmem:s14], [sflag:$0x2] =	stream.indirect.gather [hbm4b:s3+s11], $0x28, s11, s11, $0xb8;
	[tilespmem:$0x14050] =	vst v63  }
0x53: {  	_ =	swait.ge [sflag:s15], $0x9C40  }
0x54: {  	[sflag:s15] =	ssyncset.done $0x0  }
0x55: {  	[sflag:s15] =	ssyncadd.s32 $0xFFFF63C0  }
0x56: {  	[hbm4b:s20+s2] =	stream.linear.scatter [tilespmem:s13], [sflag:$0x3], $0x9C40, $0x38;
	[tilespmem:$0x14050] =	vst v63  }
0x57: {  	_ =	swait.ge [sflag:s15], $0x9C40  }
0x58: {  	[sflag:s15] =	ssyncset.done $0x0  }
0x59: {  	[sflag:s15] =	ssyncadd.s32 $0xFFFF63C0  }
0x5a: {  	[hbm4b:s19+s2] =	stream.linear.scatter [tilespmem:s14], [sflag:$0x3], $0x9C40, $0x38;
	[tilespmem:$0x14050] =	vst v63  }
0x5b: {  	_ =	swait.ge [sflag:s16], $0x9C40  }
0x5c: {  	[sflag:s16] =	ssyncset.done $0x0  }
0x5d: {  	[sflag:s16] =	ssyncadd.s32 $0xFFFF63C0  }
0x5e: {  	_ =	swait.ge [sflag:s16], $0x9C40  }
0x5f: {  	[sflag:s16] =	ssyncset.done $0x0  }
0x60: {  	[sflag:s16] =	ssyncadd.s32 $0xFFFF63C0  }
0x61: {  	[tilespmem:s2], [sflag:$0x4] =	stream.linear.gather [hbm4b:s4+s2], $0x3E8, $0x38;
	[tilespmem:$0x14050] =	vst v63  }
0x62: {  	_ =	swait.ge [sflag:s17], $0x3E8  }
0x63: {  	[sflag:s17] =	ssyncset.done $0x0  }
0x64: {  	[sflag:s17] =	ssyncadd.s32 $0xFFFFFC18  }
0x65: {  	[tilespmem:s13], [sflag:$0x2] =	stream.indirect.gather [hbm4b:s3+s11], $0x28, s2, s11, $0xb8;
	[tilespmem:$0x14050] =	vst v63  }
0x66: {  	s18 =	sadd.s32 $0x1, s18;
	_ =	swait.ge [sflag:s15], $0x9C40  }
0x67: {  	p0 =	sne.s32 s18, s6;
	[sflag:s15] =	ssyncset.done $0x0  }
.Ltmp1:
0x68: {  	[sflag:s15] =	ssyncadd.s32 $0xFFFF63C0;
	(pc) =	sbr.rel @p0 .LBB2_1-.Ltmp1, $4  }
0x69: {  	[hbm4b:s5+s2] =	stream.linear.scatter [tilespmem:s13], [sflag:$0x4], $0x9C40, $0x38;
	[tilespmem:$0x14050] =	vst v63  }
0x6a: {  	_ =	swait.ge [sflag:s17], $0x9C40  }
0x6b: {  	[sflag:s17] =	ssyncset.done $0x0  }
0x6c: {  	[sflag:s17] =	ssyncadd.s32 $0xFFFF63C0  }
0x6d: {  	_ =	sfence.sel $0x180000  }
0x6e: {  	[bflag:$0x0] =	sbarrier.arrive $0xFFFF  }
0x6f: {  	p0 =	sne.s32 s1, $0x0;
	_ =	strace $0x9000004A  }
0x70: {  	s0 =	sadd.s32 @!p0 $0x100000, s0;
	[bflag:$0x2] =	sbarrier.arrive $0xFFFF  }
0x71: {  	[sflag:s0] =	ssyncadd.tile.s32 @!p0 $0x1;
	_ =	shalt  }
.Lfunc_end2:
_tile_overlayer_lowered:
.L_overlay_start_2:
0x72: {  	(tag) =	ssettag $0x2  }
0x73: {  	s0 =	rddreg [dreg:$0x0];
	s2 =	stileid.u32  }
0x74: {  	s1 =	rddreg [dreg:$0x1];
	p0 =	sne.s32 s2, $0x0  }
0x75: {  	s3 =	rddreg [dreg:$0x2];
	[bflag:$0x3] =	sbarrier.arrive $0xFFFF;
	s2 =	simm.s32 @!p0 $0x1C04  }
0x76: {  	[timem:s3], [sflag:s2] =	dma.local @!p0 [hbm:s0], s1  }
0x77: {  	s0 =	simm.s32 @!p0 $0x4  }
0x78: {  	_ =	swait.ge @!p0 [sflag:s0], s1  }
0x79: {  	s1 =	ssub.s32 @!p0 $0x0, s1;
	[sflag:s0] =	ssyncset.done @!p0 $0x0  }
0x7a: {  	[sflag:s0] =	ssyncadd.s32 @!p0 s1  }
0x7b: {  	[bflag:$0x3] =	sbarrier.arrive $0xFFFF  }
0x7c: {  	_ =	shalt  }

</sc_bundles>
